<compile_context>
chip_gen: v7x
topology: tpu7x:2x2x1
jax: 0.10.2.dev20260603
libtpu: 0.0.44.dev20260713+nightly
codegen_flags: <defaults>
</compile_context>

<pallas_src>
import functools

import jax
import jax.numpy as jnp
from jax import lax
from jax.experimental import pallas as pl
from jax.experimental.pallas import tpu as pltpu
from jax.experimental.pallas import tpu_sc as plsc

_D = 9
_TBL = 144 * _D


def _sc_lookup(h2, m2, table_flat, b, l):
    mesh = plsc.VectorSubcoreMesh(core_axis_name="c", subcore_axis_name="s")

    @functools.partial(
        pl.kernel,
        out_type=jax.ShapeDtypeStruct((b, l, _D), jnp.float32),
        mesh=mesh,
        scratch_types=[
            pltpu.VMEM((_TBL,), jnp.float32),
        ],
        compiler_params=pltpu.CompilerParams(
            use_tc_tiling_on_sc=True, needs_layout_passes=False
        ),
    )
    def k(h_hbm, m_hbm, t_hbm, o_hbm, t_v):
        pltpu.sync_copy(t_hbm, t_v)

        iota = lax.iota(jnp.int32, 16)
        zeros = iota * 0
        jv = [zeros + j for j in range(_D)]

        def body(h_vmem, m_vmem, o_vmem):
            def chunk(s, lvec):
                sl = pl.ds(s, 16)
                c9 = h_vmem[0, sl] * (6 * _D) + m_vmem[0, sl] * _D
                for j in range(_D):
                    vals = plsc.load_gather(t_v, [c9 + j])
                    plsc.store_scatter(o_vmem, [zeros, lvec, jv[j]], vals)

            @pl.loop(0, (l // 16))
            def _(u):
                chunk(u * 16, iota + u * 16)

            if l % 16:
                chunk(l - 16, iota + (l - 16))

        pltpu.emit_pipeline(
            body,
            grid=(b,),
            in_specs=[
                pl.BlockSpec((1, l), lambda i: (i, 0)),
                pl.BlockSpec((1, l), lambda i: (i, 0)),
            ],
            out_specs=[pl.BlockSpec((1, l, _D), lambda i: (i, 0, 0))],
            core_axis_name=("c", "s"),
            dimension_semantics=(pltpu.PARALLEL,),
        )(h_hbm, m_hbm, o_hbm)

    return k(h2, m2, table_flat)


def kernel(hour_idx, minute_idx, minute_table, hour_table):
    b, l = hour_idx.shape
    h2 = hour_idx.astype(jnp.int32)
    m2 = minute_idx.astype(jnp.int32)
    n_minute = minute_table.shape[0]
    n_hour = hour_table.shape[0]
    table = jnp.concatenate(
        [
            jnp.repeat(hour_table, n_minute, axis=0),
            jnp.tile(minute_table, (n_hour, 1)),
        ],
        axis=1,
    ).reshape(-1)
    return _sc_lookup(h2, m2, table, b, l)

# --- scband reference (transcript-rebuilt; emitter-appended) ---
"""Pipeline reference for scband-temporal-embedding-66760971649245 (READ-ONLY COPY).

The authoritative reference and input builder live on the scoring server;
editing this copy changes nothing except your own understanding.
"""

import jax, jax.numpy as jnp
import numpy as np

B = 16384
L = 200
MINUTE_SIZE = 6
HOUR_SIZE = 24


def setup_inputs(seed: int = 0) -> dict:
    key = jax.random.key(seed)
    k1, k2, k3, k4 = jax.random.split(key, 4)
    hour_idx = jax.random.randint(k1, (B, L), 0, HOUR_SIZE, dtype=jnp.int64 if jax.config.jax_enable_x64 else jnp.int32)
    minute_idx = jax.random.randint(k2, (B, L), 0, MINUTE_SIZE, dtype=jnp.int64 if jax.config.jax_enable_x64 else jnp.int32)
    minute_table = jax.random.normal(k3, (MINUTE_SIZE, 3), dtype=jnp.float32)
    hour_table = jax.random.normal(k4, (HOUR_SIZE, 6), dtype=jnp.float32)
    return {"hour_idx": hour_idx, "minute_idx": minute_idx, "minute_table": minute_table, "hour_table": hour_table}


def reference(hour_idx, minute_idx, minute_table, hour_table):
    # Embedding lookups (gather rows of the learned tables)
    hour_x = jnp.take(hour_table, hour_idx, axis=0)      # [B, L, 6]
    minute_x = jnp.take(minute_table, minute_idx, axis=0)  # [B, L, 3]
    # Combine the temporal embeddings along the feature axis
    out = jnp.concatenate([hour_x, minute_x], axis=-1)   # [B, L, 9]
    return out

if __name__ == "__main__":
    import jax
    _d = setup_inputs()
    print(jax.jit(kernel)(*tuple(_d.values())))

</pallas_src>

<mosaic_0001>
#map = affine_map<(d0, d1) -> (0, 0)>
#map1 = affine_map<(d0, d1) -> (0)>
#map2 = affine_map<(d0, d1) -> (0, 0, 0)>
module attributes {stable_mosaic.version = 14 : i64} {
  func.func @k(%arg0: i32, %arg1: i32, %arg2: memref<16384x200xi32, #tpu.memory_space<hbm>>, %arg3: memref<16384x200xi32, #tpu.memory_space<hbm>>, %arg4: memref<1296xf32, #tpu.memory_space<hbm>>, %arg5: memref<16384x200x9xf32, #tpu.memory_space<hbm>>, %arg6: memref<1296xf32, #tpu.memory_space<vmem>>) attributes {dimension_semantics = [#tpu.dimension_semantics<core_parallel>, #tpu.dimension_semantics<subcore_parallel>], iteration_bounds = array<i64: 2, 16>, scalar_prefetch = 0 : i64, scratch_operands = 1 : i64, tpu.core_type = #tpu.core_type<sc_vector_subcore>, window_params = [{transform_indices = #map}, {transform_indices = #map}, {transform_indices = #map1}, {transform_indices = #map2}]} {
    "tpu.region"() ({
      %run_scoped3A = tpu.sem_alloc : memref<!tpu.dma_semaphore, #tpu.memory_space<semaphore_mem>>
      tpu.enqueue_dma source(%arg4 : memref<1296xf32, #tpu.memory_space<hbm>>) target(%arg6 : memref<1296xf32, #tpu.memory_space<vmem>>) target_semaphore(%run_scoped3A : memref<!tpu.dma_semaphore, #tpu.memory_space<semaphore_mem>>)
      tpu.wait_dma2 semaphore(%run_scoped3A : memref<!tpu.dma_semaphore, #tpu.memory_space<semaphore_mem>>) src(%arg4 : memref<1296xf32, #tpu.memory_space<hbm>>) dst(%arg6 : memref<1296xf32, #tpu.memory_space<vmem>>)
      tpu.yield
    }) : () -> ()
    %iota3A = tpu.iota {dimensions = array<i32: 0>} : vector<16xi32>
    %mul3A = arith.constant 0 : i32
    %mul3A_0 = vector.broadcast %mul3A : i32 to vector<16xi32>
    %mul3A_1 = arith.muli %iota3A, %mul3A_0 : vector<16xi32>
    %add3A = arith.constant 0 : i32
    %add3A_2 = vector.broadcast %add3A : i32 to vector<16xi32>
    %add3A_3 = arith.addi %mul3A_1, %add3A_2 : vector<16xi32>
    %add3A_4 = arith.constant 1 : i32
    %add3A_5 = vector.broadcast %add3A_4 : i32 to vector<16xi32>
    %add3A_6 = arith.addi %mul3A_1, %add3A_5 : vector<16xi32>
    %add3A_7 = arith.constant 2 : i32
    %add3A_8 = vector.broadcast %add3A_7 : i32 to vector<16xi32>
    %add3A_9 = arith.addi %mul3A_1, %add3A_8 : vector<16xi32>
    %add3A_10 = arith.constant 3 : i32
    %add3A_11 = vector.broadcast %add3A_10 : i32 to vector<16xi32>
    %add3A_12 = arith.addi %mul3A_1, %add3A_11 : vector<16xi32>
    %add3A_13 = arith.constant 4 : i32
    %add3A_14 = vector.broadcast %add3A_13 : i32 to vector<16xi32>
    %add3A_15 = arith.addi %mul3A_1, %add3A_14 : vector<16xi32>
    %add3A_16 = arith.constant 5 : i32
    %add3A_17 = vector.broadcast %add3A_16 : i32 to vector<16xi32>
    %add3A_18 = arith.addi %mul3A_1, %add3A_17 : vector<16xi32>
    %add3A_19 = arith.constant 6 : i32
    %add3A_20 = vector.broadcast %add3A_19 : i32 to vector<16xi32>
    %add3A_21 = arith.addi %mul3A_1, %add3A_20 : vector<16xi32>
    %add3A_22 = arith.constant 7 : i32
    %add3A_23 = vector.broadcast %add3A_22 : i32 to vector<16xi32>
    %add3A_24 = arith.addi %mul3A_1, %add3A_23 : vector<16xi32>
    %add3A_25 = arith.constant 8 : i32
    %add3A_26 = vector.broadcast %add3A_25 : i32 to vector<16xi32>
    %add3A_27 = arith.addi %mul3A_1, %add3A_26 : vector<16xi32>
    %mul3A_28 = arith.constant 1 : i32
    %mul3A_29 = arith.muli %arg1, %mul3A_28 : i32
    %add3A_30 = arith.constant 0 : i32
    %add3A_31 = arith.addi %add3A_30, %mul3A_29 : i32
    %mul3A_32 = arith.constant 16 : i32
    %mul3A_33 = arith.muli %arg0, %mul3A_32 : i32
    %add3A_34 = arith.addi %add3A_31, %mul3A_33 : i32
    %mul3A_35 = arith.constant 512 : i32
    %mul3A_36 = arith.muli %add3A_34, %mul3A_35 : i32
    "tpu.region"() ({
      %run_scoped3A = memref.alloca() : memref<2x1x200xi32, #tpu.memory_space<vmem>>
      %run_scoped3A_37 = tpu.sem_alloc : memref<2x!tpu.dma_semaphore, #tpu.memory_space<semaphore_mem>>
      %run_scoped3A_38 = memref.alloca() : memref<2x1x200xi32, #tpu.memory_space<vmem>>
      %run_scoped3A_39 = tpu.sem_alloc : memref<2x!tpu.dma_semaphore, #tpu.memory_space<semaphore_mem>>
      %run_scoped3A_40 = memref.alloca() : memref<2x1x200x9xf32, #tpu.memory_space<vmem>>
      %run_scoped3A_41 = tpu.sem_alloc : memref<2x!tpu.dma_semaphore, #tpu.memory_space<semaphore_mem>>
      %add3A_42 = arith.constant 0 : i32
      %add3A_43 = arith.addi %add3A_42, %mul3A_36 : i32
      %select_n3A = arith.constant true
      %select_n3A_44 = arith.constant 0 : i32
      %select_n3A_45 = arith.constant -1 : i32
      %select_n3A_46 = arith.select %select_n3A, %select_n3A_45, %select_n3A_44 : i32
      %eq3A = arith.constant -1 : i32
      %eq3A_47 = arith.cmpi eq, %select_n3A_46, %eq3A : i32
      %select_n3A_48 = arith.constant 511 : i32
      %select_n3A_49 = arith.select %eq3A_47, %select_n3A_48, %select_n3A_46 : i32
      %add3A_50 = arith.addi %select_n3A_49, %mul3A_36 : i32
      %select_n3A_51 = arith.constant true
      %select_n3A_52 = arith.constant 0 : i32
      %select_n3A_53 = arith.constant 1 : i32
      %select_n3A_54 = arith.select %select_n3A_51, %select_n3A_53, %select_n3A_52 : i32
      %eq3A_55 = arith.constant 512 : i32
      %eq3A_56 = arith.cmpi eq, %select_n3A_54, %eq3A_55 : i32
      %select_n3A_57 = arith.constant 0 : i32
      %select_n3A_58 = arith.select %eq3A_56, %select_n3A_57, %select_n3A_54 : i32
      %add3A_59 = arith.addi %select_n3A_58, %mul3A_36 : i32
      %add3A_60 = arith.constant 1 : i32
      %add3A_61 = arith.addi %select_n3A_58, %add3A_60 : i32
      %select_n3A_62 = arith.constant true
      %select_n3A_63 = arith.select %select_n3A_62, %add3A_61, %select_n3A_58 : i32
      %eq3A_64 = arith.constant 512 : i32
      %eq3A_65 = arith.cmpi eq, %select_n3A_63, %eq3A_64 : i32
      %select_n3A_66 = arith.constant 0 : i32
      %select_n3A_67 = arith.select %eq3A_65, %select_n3A_66, %select_n3A_63 : i32
      %add3A_68 = arith.addi %select_n3A_67, %mul3A_36 : i32
      "tpu.trace_start"() <{level = 10 : i32, message = "ep_initialize_0"}> : () -> ()
      %rem3A = arith.constant 0 : i32
      %rem3A_69 = arith.constant 2 : i32
      %rem3A_70 = arith.remui %rem3A, %rem3A_69 : i32
      %mul3A_71 = arith.constant 1 : i32
      %mul3A_72 = arith.muli %mul3A_71, %add3A_43 : i32
      %dma_start3A = arith.constant 0 : i32
      %dma_start3A_73 = arith.constant 0 : i32
      %dma_start3A_74 = tpu.memref_slice %run_scoped3A[%rem3A_70, %dma_start3A, %dma_start3A_73] : memref<2x1x200xi32, #tpu.memory_space<vmem>> -> memref<1x1x200xi32, #tpu.memory_space<vmem>>
      %dma_start3A_75 = tpu.memref_squeeze %dma_start3A_74 : memref<1x1x200xi32, #tpu.memory_space<vmem>> -> memref<1x200xi32, #tpu.memory_space<vmem>>
      %dma_start3A_76 = arith.constant 0 : i32
      %dma_start3A_77 = tpu.memref_slice %arg2[%mul3A_72, %dma_start3A_76] : memref<16384x200xi32, #tpu.memory_space<hbm>> -> memref<1x200xi32, #tpu.memory_space<hbm>>
      %dma_start3A_78 = tpu.memref_slice %run_scoped3A_37[%rem3A_70] : memref<2x!tpu.dma_semaphore, #tpu.memory_space<semaphore_mem>> -> memref<1x!tpu.dma_semaphore, #tpu.memory_space<semaphore_mem>>
      %dma_start3A_79 = tpu.memref_squeeze %dma_start3A_78 : memref<1x!tpu.dma_semaphore, #tpu.memory_space<semaphore_mem>> -> memref<!tpu.dma_semaphore, #tpu.memory_space<semaphore_mem>>
      %dma_start3A_80 = arith.constant 0 : i32
      %dma_start3A_81 = arith.constant 0 : i32
      %dma_start3A_82 = tpu.memref_slice %run_scoped3A[%rem3A_70, %dma_start3A_80, %dma_start3A_81] : memref<2x1x200xi32, #tpu.memory_space<vmem>> -> memref<1x1x200xi32, #tpu.memory_space<vmem>>
      %dma_start3A_83 = tpu.memref_squeeze %dma_start3A_82 : memref<1x1x200xi32, #tpu.memory_space<vmem>> -> memref<1x200xi32, #tpu.memory_space<vmem>>
      %dma_start3A_84 = arith.constant 0 : i32
      %dma_start3A_85 = tpu.memref_slice %arg2[%mul3A_72, %dma_start3A_84] : memref<16384x200xi32, #tpu.memory_space<hbm>> -> memref<1x200xi32, #tpu.memory_space<hbm>>
      tpu.enqueue_dma source(%dma_start3A_85 : memref<1x200xi32, #tpu.memory_space<hbm>>) target(%dma_start3A_83 : memref<1x200xi32, #tpu.memory_space<vmem>>) target_semaphore(%dma_start3A_79 : memref<!tpu.dma_semaphore, #tpu.memory_space<semaphore_mem>>)
      %add3A_86 = arith.constant 0 : i32
      %add3A_87 = arith.constant 1 : i32
      %add3A_88 = arith.addi %add3A_86, %add3A_87 : i32
      %select_n3A_89 = arith.constant true
      %select_n3A_90 = arith.constant 0 : i32
      %select_n3A_91 = arith.select %select_n3A_89, %add3A_88, %select_n3A_90 : i32
      %rem3A_92 = arith.constant 0 : i32
      %rem3A_93 = arith.constant 2 : i32
      %rem3A_94 = arith.remui %rem3A_92, %rem3A_93 : i32
      %mul3A_95 = arith.constant 1 : i32
      %mul3A_96 = arith.muli %mul3A_95, %add3A_43 : i32
      %dma_start3A_97 = arith.constant 0 : i32
      %dma_start3A_98 = arith.constant 0 : i32
      %dma_start3A_99 = tpu.memref_slice %run_scoped3A_38[%rem3A_94, %dma_start3A_97, %dma_start3A_98] : memref<2x1x200xi32, #tpu.memory_space<vmem>> -> memref<1x1x200xi32, #tpu.memory_space<vmem>>
      %dma_start3A_100 = tpu.memref_squeeze %dma_start3A_99 : memref<1x1x200xi32, #tpu.memory_space<vmem>> -> memref<1x200xi32, #tpu.memory_space<vmem>>
      %dma_start3A_101 = arith.constant 0 : i32
      %dma_start3A_102 = tpu.memref_slice %arg3[%mul3A_96, %dma_start3A_101] : memref<16384x200xi32, #tpu.memory_space<hbm>> -> memref<1x200xi32, #tpu.memory_space<hbm>>
      %dma_start3A_103 = tpu.memref_slice %run_scoped3A_39[%rem3A_94] : memref<2x!tpu.dma_semaphore, #tpu.memory_space<semaphore_mem>> -> memref<1x!tpu.dma_semaphore, #tpu.memory_space<semaphore_mem>>
      %dma_start3A_104 = tpu.memref_squeeze %dma_start3A_103 : memref<1x!tpu.dma_semaphore, #tpu.memory_space<semaphore_mem>> -> memref<!tpu.dma_semaphore, #tpu.memory_space<semaphore_mem>>
      %dma_start3A_105 = arith.constant 0 : i32
      %dma_start3A_106 = arith.constant 0 : i32
      %dma_start3A_107 = tpu.memref_slice %run_scoped3A_38[%rem3A_94, %dma_start3A_105, %dma_start3A_106] : memref<2x1x200xi32, #tpu.memory_space<vmem>> -> memref<1x1x200xi32, #tpu.memory_space<vmem>>
      %dma_start3A_108 = tpu.memref_squeeze %dma_start3A_107 : memref<1x1x200xi32, #tpu.memory_space<vmem>> -> memref<1x200xi32, #tpu.memory_space<vmem>>
      %dma_start3A_109 = arith.constant 0 : i32
      %dma_start3A_110 = tpu.memref_slice %arg3[%mul3A_96, %dma_start3A_109] : memref<16384x200xi32, #tpu.memory_space<hbm>> -> memref<1x200xi32, #tpu.memory_space<hbm>>
      tpu.enqueue_dma source(%dma_start3A_110 : memref<1x200xi32, #tpu.memory_space<hbm>>) target(%dma_start3A_108 : memref<1x200xi32, #tpu.memory_space<vmem>>) target_semaphore(%dma_start3A_104 : memref<!tpu.dma_semaphore, #tpu.memory_space<semaphore_mem>>)
      %add3A_111 = arith.constant 0 : i32
      %add3A_112 = arith.constant 1 : i32
      %add3A_113 = arith.addi %add3A_111, %add3A_112 : i32
      %select_n3A_114 = arith.constant true
      %select_n3A_115 = arith.constant 0 : i32
      %select_n3A_116 = arith.select %select_n3A_114, %add3A_113, %select_n3A_115 : i32
      "tpu.trace_stop"() : () -> ()
      %scan3A = arith.constant 0 : i32
      %scan3A_117 = arith.constant 0 : i32
      %scan3A_118 = arith.constant 0 : i32
      %scan3A_119 = arith.constant 0 : i32
      %scan3A_120 = arith.constant 0 : i32
      %scan3A_121 = arith.constant 0 : i32
      %scan3A_122 = arith.constant 512 : i32
      %scan3A_123 = arith.addi %scan3A_121, %scan3A_122 : i32
      %scan3A_124 = arith.constant 1 : i32
      %scan3A_125:7 = scf.for %scan3A_183 = %scan3A_121 to %scan3A_123 step %scan3A_124 iter_args(%scan3A_184 = %select_n3A_91, %scan3A_185 = %scan3A, %scan3A_186 = %select_n3A_116, %scan3A_187 = %scan3A_117, %scan3A_188 = %scan3A_118, %scan3A_189 = %scan3A_119, %scan3A_190 = %scan3A_120) -> (i32, i32, i32, i32, i32, i32, i32)  : i32 {
        %eq3A_191 = arith.constant 0 : i32
        %eq3A_192 = arith.cmpi eq, %scan3A_183, %eq3A_191 : i32
        %eq3A_193 = arith.constant 511 : i32
        %eq3A_194 = arith.cmpi eq, %scan3A_183, %eq3A_193 : i32
        %add3A_195 = arith.addi %scan3A_190, %mul3A_36 : i32
        %sub3A_196 = arith.constant 1 : i32
        %sub3A_197 = arith.subi %scan3A_190, %sub3A_196 : i32
        %select_n3A_198 = arith.constant true
        %select_n3A_199 = arith.select %select_n3A_198, %sub3A_197, %scan3A_190 : i32
        %eq3A_200 = arith.constant -1 : i32
        %eq3A_201 = arith.cmpi eq, %select_n3A_199, %eq3A_200 : i32
        %select_n3A_202 = arith.constant 511 : i32
        %select_n3A_203 = arith.select %eq3A_201, %select_n3A_202, %select_n3A_199 : i32
        %add3A_204 = arith.addi %select_n3A_203, %mul3A_36 : i32
        %add3A_205 = arith.constant 1 : i32
        %add3A_206 = arith.addi %scan3A_190, %add3A_205 : i32
        %select_n3A_207 = arith.constant true
        %select_n3A_208 = arith.select %select_n3A_207, %add3A_206, %scan3A_190 : i32
        %eq3A_209 = arith.constant 512 : i32
        %eq3A_210 = arith.cmpi eq, %select_n3A_208, %eq3A_209 : i32
        %select_n3A_211 = arith.constant 0 : i32
        %select_n3A_212 = arith.select %eq3A_210, %select_n3A_211, %select_n3A_208 : i32
        %add3A_213 = arith.addi %select_n3A_212, %mul3A_36 : i32
        %add3A_214 = arith.constant 1 : i32
        %add3A_215 = arith.addi %select_n3A_212, %add3A_214 : i32
        %select_n3A_216 = arith.constant true
        %select_n3A_217 = arith.select %select_n3A_216, %add3A_215, %select_n3A_212 : i32
        %eq3A_218 = arith.constant 512 : i32
        %eq3A_219 = arith.cmpi eq, %select_n3A_217, %eq3A_218 : i32
        %select_n3A_220 = arith.constant 0 : i32
        %select_n3A_221 = arith.select %eq3A_219, %select_n3A_220, %select_n3A_217 : i32
        %add3A_222 = arith.addi %select_n3A_221, %mul3A_36 : i32
        %ne3A = arith.cmpi ne, %add3A_195, %add3A_213 : i32
        %or3A = arith.constant false
        %or3A_223 = arith.ori %or3A, %ne3A : i1
        %or3A_224 = arith.constant false
        %or3A_225 = arith.ori %or3A_223, %or3A_224 : i1
        %ge3A = arith.constant 511 : i32
        %ge3A_226 = arith.cmpi sge, %scan3A_183, %ge3A : i32
        %not3A = arith.constant true
        %not3A_227 = arith.xori %ge3A_226, %not3A : i1
        %and3A = arith.andi %or3A_225, %not3A_227 : i1
        %convert_element_type3A = arith.extui %and3A : i1 to i32
        %cond3A = arith.constant 0 : i32
        %cond3A_228 = arith.cmpi ne, %convert_element_type3A, %cond3A : i32
        scf.if %cond3A_228 {
          "tpu.trace_start"() <{level = 10 : i32, message = "ep_copy_in"}> : () -> ()
          %rem3A_516 = arith.constant 2 : i32
          %rem3A_517 = arith.remui %scan3A_184, %rem3A_516 : i32
          %mul3A_518 = arith.constant 1 : i32
          %mul3A_519 = arith.muli %mul3A_518, %add3A_213 : i32
          %dma_start3A_520 = arith.constant 0 : i32
          %dma_start3A_521 = arith.constant 0 : i32
          %dma_start3A_522 = tpu.memref_slice %run_scoped3A[%rem3A_517, %dma_start3A_520, %dma_start3A_521] : memref<2x1x200xi32, #tpu.memory_space<vmem>> -> memref<1x1x200xi32, #tpu.memory_space<vmem>>
          %dma_start3A_523 = tpu.memref_squeeze %dma_start3A_522 : memref<1x1x200xi32, #tpu.memory_space<vmem>> -> memref<1x200xi32, #tpu.memory_space<vmem>>
          %dma_start3A_524 = arith.constant 0 : i32
          %dma_start3A_525 = tpu.memref_slice %arg2[%mul3A_519, %dma_start3A_524] : memref<16384x200xi32, #tpu.memory_space<hbm>> -> memref<1x200xi32, #tpu.memory_space<hbm>>
          %dma_start3A_526 = tpu.memref_slice %run_scoped3A_37[%rem3A_517] : memref<2x!tpu.dma_semaphore, #tpu.memory_space<semaphore_mem>> -> memref<1x!tpu.dma_semaphore, #tpu.memory_space<semaphore_mem>>
          %dma_start3A_527 = tpu.memref_squeeze %dma_start3A_526 : memref<1x!tpu.dma_semaphore, #tpu.memory_space<semaphore_mem>> -> memref<!tpu.dma_semaphore, #tpu.memory_space<semaphore_mem>>
          %dma_start3A_528 = arith.constant 0 : i32
          %dma_start3A_529 = arith.constant 0 : i32
          %dma_start3A_530 = tpu.memref_slice %run_scoped3A[%rem3A_517, %dma_start3A_528, %dma_start3A_529] : memref<2x1x200xi32, #tpu.memory_space<vmem>> -> memref<1x1x200xi32, #tpu.memory_space<vmem>>
          %dma_start3A_531 = tpu.memref_squeeze %dma_start3A_530 : memref<1x1x200xi32, #tpu.memory_space<vmem>> -> memref<1x200xi32, #tpu.memory_space<vmem>>
          %dma_start3A_532 = arith.constant 0 : i32
          %dma_start3A_533 = tpu.memref_slice %arg2[%mul3A_519, %dma_start3A_532] : memref<16384x200xi32, #tpu.memory_space<hbm>> -> memref<1x200xi32, #tpu.memory_space<hbm>>
          tpu.enqueue_dma source(%dma_start3A_533 : memref<1x200xi32, #tpu.memory_space<hbm>>) target(%dma_start3A_531 : memref<1x200xi32, #tpu.memory_space<vmem>>) target_semaphore(%dma_start3A_527 : memref<!tpu.dma_semaphore, #tpu.memory_space<semaphore_mem>>)
          "tpu.trace_stop"() : () -> ()
        } else {
        }
        %and3A_229 = arith.constant true
        %and3A_230 = arith.andi %and3A, %and3A_229 : i1
        %add3A_231 = arith.constant 1 : i32
        %add3A_232 = arith.addi %scan3A_184, %add3A_231 : i32
        %select_n3A_233 = arith.select %and3A_230, %add3A_232, %scan3A_184 : i32
        %ne3A_234 = arith.cmpi ne, %add3A_195, %add3A_213 : i32
        %or3A_235 = arith.constant false
        %or3A_236 = arith.ori %or3A_235, %ne3A_234 : i1
        %or3A_237 = arith.constant false
        %or3A_238 = arith.ori %or3A_236, %or3A_237 : i1
        %ge3A_239 = arith.constant 511 : i32
        %ge3A_240 = arith.cmpi sge, %scan3A_183, %ge3A_239 : i32
        %not3A_241 = arith.constant true
        %not3A_242 = arith.xori %ge3A_240, %not3A_241 : i1
        %and3A_243 = arith.andi %or3A_238, %not3A_242 : i1
        %convert_element_type3A_244 = arith.extui %and3A_243 : i1 to i32
        %cond3A_245 = arith.constant 0 : i32
        %cond3A_246 = arith.cmpi ne, %convert_element_type3A_244, %cond3A_245 : i32
        scf.if %cond3A_246 {
          "tpu.trace_start"() <{level = 10 : i32, message = "ep_copy_in"}> : () -> ()
          %rem3A_516 = arith.constant 2 : i32
          %rem3A_517 = arith.remui %scan3A_186, %rem3A_516 : i32
          %mul3A_518 = arith.constant 1 : i32
          %mul3A_519 = arith.muli %mul3A_518, %add3A_213 : i32
          %dma_start3A_520 = arith.constant 0 : i32
          %dma_start3A_521 = arith.constant 0 : i32
          %dma_start3A_522 = tpu.memref_slice %run_scoped3A_38[%rem3A_517, %dma_start3A_520, %dma_start3A_521] : memref<2x1x200xi32, #tpu.memory_space<vmem>> -> memref<1x1x200xi32, #tpu.memory_space<vmem>>
          %dma_start3A_523 = tpu.memref_squeeze %dma_start3A_522 : memref<1x1x200xi32, #tpu.memory_space<vmem>> -> memref<1x200xi32, #tpu.memory_space<vmem>>
          %dma_start3A_524 = arith.constant 0 : i32
          %dma_start3A_525 = tpu.memref_slice %arg3[%mul3A_519, %dma_start3A_524] : memref<16384x200xi32, #tpu.memory_space<hbm>> -> memref<1x200xi32, #tpu.memory_space<hbm>>
          %dma_start3A_526 = tpu.memref_slice %run_scoped3A_39[%rem3A_517] : memref<2x!tpu.dma_semaphore, #tpu.memory_space<semaphore_mem>> -> memref<1x!tpu.dma_semaphore, #tpu.memory_space<semaphore_mem>>
          %dma_start3A_527 = tpu.memref_squeeze %dma_start3A_526 : memref<1x!tpu.dma_semaphore, #tpu.memory_space<semaphore_mem>> -> memref<!tpu.dma_semaphore, #tpu.memory_space<semaphore_mem>>
          %dma_start3A_528 = arith.constant 0 : i32
          %dma_start3A_529 = arith.constant 0 : i32
          %dma_start3A_530 = tpu.memref_slice %run_scoped3A_38[%rem3A_517, %dma_start3A_528, %dma_start3A_529] : memref<2x1x200xi32, #tpu.memory_space<vmem>> -> memref<1x1x200xi32, #tpu.memory_space<vmem>>
          %dma_start3A_531 = tpu.memref_squeeze %dma_start3A_530 : memref<1x1x200xi32, #tpu.memory_space<vmem>> -> memref<1x200xi32, #tpu.memory_space<vmem>>
          %dma_start3A_532 = arith.constant 0 : i32
          %dma_start3A_533 = tpu.memref_slice %arg3[%mul3A_519, %dma_start3A_532] : memref<16384x200xi32, #tpu.memory_space<hbm>> -> memref<1x200xi32, #tpu.memory_space<hbm>>
          tpu.enqueue_dma source(%dma_start3A_533 : memref<1x200xi32, #tpu.memory_space<hbm>>) target(%dma_start3A_531 : memref<1x200xi32, #tpu.memory_space<vmem>>) target_semaphore(%dma_start3A_527 : memref<!tpu.dma_semaphore, #tpu.memory_space<semaphore_mem>>)
          "tpu.trace_stop"() : () -> ()
        } else {
        }
        %and3A_247 = arith.constant true
        %and3A_248 = arith.andi %and3A_243, %and3A_247 : i1
        %add3A_249 = arith.constant 1 : i32
        %add3A_250 = arith.addi %scan3A_186, %add3A_249 : i32
        %select_n3A_251 = arith.select %and3A_248, %add3A_250, %scan3A_186 : i32
        %ne3A_252 = arith.cmpi ne, %add3A_195, %add3A_213 : i32
        %or3A_253 = arith.constant false
        %or3A_254 = arith.ori %or3A_253, %ne3A_252 : i1
        %or3A_255 = arith.constant false
        %or3A_256 = arith.ori %or3A_254, %or3A_255 : i1
        %or3A_257 = arith.constant false
        %or3A_258 = arith.ori %or3A_256, %or3A_257 : i1
        %ge3A_259 = arith.constant 511 : i32
        %ge3A_260 = arith.cmpi sge, %scan3A_183, %ge3A_259 : i32
        %not3A_261 = arith.constant true
        %not3A_262 = arith.xori %ge3A_260, %not3A_261 : i1
        %and3A_263 = arith.andi %or3A_258, %not3A_262 : i1
        %ne3A_264 = arith.cmpi ne, %add3A_195, %add3A_204 : i32
        %or3A_265 = arith.constant false
        %or3A_266 = arith.ori %or3A_265, %ne3A_264 : i1
        %or3A_267 = arith.constant false
        %or3A_268 = arith.ori %or3A_266, %or3A_267 : i1
        %or3A_269 = arith.ori %or3A_268, %eq3A_192 : i1
        %convert_element_type3A_270 = arith.extui %or3A_269 : i1 to i32
        %cond3A_271 = arith.constant 0 : i32
        %cond3A_272 = arith.cmpi ne, %convert_element_type3A_270, %cond3A_271 : i32
        scf.if %cond3A_272 {
          "tpu.trace_start"() <{level = 10 : i32, message = "ep_wait_in"}> : () -> ()
          %mul3A_516 = arith.constant 1 : i32
          %mul3A_517 = arith.muli %mul3A_516, %add3A_195 : i32
          %rem3A_518 = arith.constant 2 : i32
          %rem3A_519 = arith.remui %scan3A_185, %rem3A_518 : i32
          %dma_wait3A_520 = arith.constant 0 : i32
          %dma_wait3A_521 = arith.constant 0 : i32
          %dma_wait3A_522 = tpu.memref_slice %run_scoped3A[%rem3A_519, %dma_wait3A_520, %dma_wait3A_521] : memref<2x1x200xi32, #tpu.memory_space<vmem>> -> memref<1x1x200xi32, #tpu.memory_space<vmem>>
          %dma_wait3A_523 = tpu.memref_squeeze %dma_wait3A_522 : memref<1x1x200xi32, #tpu.memory_space<vmem>> -> memref<1x200xi32, #tpu.memory_space<vmem>>
          %dma_wait3A_524 = arith.constant 0 : i32
          %dma_wait3A_525 = tpu.memref_slice %arg2[%mul3A_517, %dma_wait3A_524] : memref<16384x200xi32, #tpu.memory_space<hbm>> -> memref<1x200xi32, #tpu.memory_space<hbm>>
          %dma_wait3A_526 = tpu.memref_slice %run_scoped3A_37[%rem3A_519] : memref<2x!tpu.dma_semaphore, #tpu.memory_space<semaphore_mem>> -> memref<1x!tpu.dma_semaphore, #tpu.memory_space<semaphore_mem>>
          %dma_wait3A_527 = tpu.memref_squeeze %dma_wait3A_526 : memref<1x!tpu.dma_semaphore, #tpu.memory_space<semaphore_mem>> -> memref<!tpu.dma_semaphore, #tpu.memory_space<semaphore_mem>>
          %dma_wait3A_528 = arith.constant 0 : i32
          %dma_wait3A_529 = arith.constant 0 : i32
          %dma_wait3A_530 = tpu.memref_slice %run_scoped3A[%rem3A_519, %dma_wait3A_528, %dma_wait3A_529] : memref<2x1x200xi32, #tpu.memory_space<vmem>> -> memref<1x1x200xi32, #tpu.memory_space<vmem>>
          %dma_wait3A_531 = tpu.memref_squeeze %dma_wait3A_530 : memref<1x1x200xi32, #tpu.memory_space<vmem>> -> memref<1x200xi32, #tpu.memory_space<vmem>>
          %dma_wait3A_532 = arith.constant 0 : i32
          %dma_wait3A_533 = tpu.memref_slice %arg2[%mul3A_517, %dma_wait3A_532] : memref<16384x200xi32, #tpu.memory_space<hbm>> -> memref<1x200xi32, #tpu.memory_space<hbm>>
          tpu.wait_dma2 semaphore(%dma_wait3A_527 : memref<!tpu.dma_semaphore, #tpu.memory_space<semaphore_mem>>) src(%dma_wait3A_533 : memref<1x200xi32, #tpu.memory_space<hbm>>) dst(%dma_wait3A_531 : memref<1x200xi32, #tpu.memory_space<vmem>>)
          "tpu.trace_stop"() : () -> ()
        } else {
        }
        %ne3A_273 = arith.cmpi ne, %add3A_195, %add3A_204 : i32
        %or3A_274 = arith.constant false
        %or3A_275 = arith.ori %or3A_274, %ne3A_273 : i1
        %or3A_276 = arith.constant false
        %or3A_277 = arith.ori %or3A_275, %or3A_276 : i1
        %or3A_278 = arith.ori %or3A_277, %eq3A_192 : i1
        %convert_element_type3A_279 = arith.extui %or3A_278 : i1 to i32
        %cond3A_280 = arith.constant 0 : i32
        %cond3A_281 = arith.cmpi ne, %convert_element_type3A_279, %cond3A_280 : i32
        scf.if %cond3A_281 {
          "tpu.trace_start"() <{level = 10 : i32, message = "ep_wait_in"}> : () -> ()
          %mul3A_516 = arith.constant 1 : i32
          %mul3A_517 = arith.muli %mul3A_516, %add3A_195 : i32
          %rem3A_518 = arith.constant 2 : i32
          %rem3A_519 = arith.remui %scan3A_187, %rem3A_518 : i32
          %dma_wait3A_520 = arith.constant 0 : i32
          %dma_wait3A_521 = arith.constant 0 : i32
          %dma_wait3A_522 = tpu.memref_slice %run_scoped3A_38[%rem3A_519, %dma_wait3A_520, %dma_wait3A_521] : memref<2x1x200xi32, #tpu.memory_space<vmem>> -> memref<1x1x200xi32, #tpu.memory_space<vmem>>
          %dma_wait3A_523 = tpu.memref_squeeze %dma_wait3A_522 : memref<1x1x200xi32, #tpu.memory_space<vmem>> -> memref<1x200xi32, #tpu.memory_space<vmem>>
          %dma_wait3A_524 = arith.constant 0 : i32
          %dma_wait3A_525 = tpu.memref_slice %arg3[%mul3A_517, %dma_wait3A_524] : memref<16384x200xi32, #tpu.memory_space<hbm>> -> memref<1x200xi32, #tpu.memory_space<hbm>>
          %dma_wait3A_526 = tpu.memref_slice %run_scoped3A_39[%rem3A_519] : memref<2x!tpu.dma_semaphore, #tpu.memory_space<semaphore_mem>> -> memref<1x!tpu.dma_semaphore, #tpu.memory_space<semaphore_mem>>
          %dma_wait3A_527 = tpu.memref_squeeze %dma_wait3A_526 : memref<1x!tpu.dma_semaphore, #tpu.memory_space<semaphore_mem>> -> memref<!tpu.dma_semaphore, #tpu.memory_space<semaphore_mem>>
          %dma_wait3A_528 = arith.constant 0 : i32
          %dma_wait3A_529 = arith.constant 0 : i32
          %dma_wait3A_530 = tpu.memref_slice %run_scoped3A_38[%rem3A_519, %dma_wait3A_528, %dma_wait3A_529] : memref<2x1x200xi32, #tpu.memory_space<vmem>> -> memref<1x1x200xi32, #tpu.memory_space<vmem>>
          %dma_wait3A_531 = tpu.memref_squeeze %dma_wait3A_530 : memref<1x1x200xi32, #tpu.memory_space<vmem>> -> memref<1x200xi32, #tpu.memory_space<vmem>>
          %dma_wait3A_532 = arith.constant 0 : i32
          %dma_wait3A_533 = tpu.memref_slice %arg3[%mul3A_517, %dma_wait3A_532] : memref<16384x200xi32, #tpu.memory_space<hbm>> -> memref<1x200xi32, #tpu.memory_space<hbm>>
          tpu.wait_dma2 semaphore(%dma_wait3A_527 : memref<!tpu.dma_semaphore, #tpu.memory_space<semaphore_mem>>) src(%dma_wait3A_533 : memref<1x200xi32, #tpu.memory_space<hbm>>) dst(%dma_wait3A_531 : memref<1x200xi32, #tpu.memory_space<vmem>>)
          "tpu.trace_stop"() : () -> ()
        } else {
        }
        %ne3A_282 = arith.cmpi ne, %add3A_195, %add3A_204 : i32
        %or3A_283 = arith.constant false
        %or3A_284 = arith.ori %or3A_283, %ne3A_282 : i1
        %or3A_285 = arith.constant false
        %or3A_286 = arith.ori %or3A_284, %or3A_285 : i1
        %or3A_287 = arith.constant false
        %or3A_288 = arith.ori %or3A_286, %or3A_287 : i1
        %or3A_289 = arith.ori %or3A_288, %eq3A_192 : i1
        %convert_element_type3A_290 = arith.extui %or3A_289 : i1 to i32
        %cond3A_291 = arith.constant 0 : i32
        %cond3A_292 = arith.cmpi ne, %convert_element_type3A_290, %cond3A_291 : i32
        scf.if %cond3A_292 {
        } else {
        }
        %rem3A_293 = arith.constant 2 : i32
        %rem3A_294 = arith.remui %scan3A_185, %rem3A_293 : i32
        %rem3A_295 = arith.constant 2 : i32
        %rem3A_296 = arith.remui %scan3A_187, %rem3A_295 : i32
        %rem3A_297 = arith.constant 2 : i32
        %rem3A_298 = arith.remui %scan3A_188, %rem3A_297 : i32
        "tpu.trace_start"() <{level = 10 : i32, message = "ep_run_kernel"}> : () -> ()
        %scan3A_299 = arith.constant 0 : i32
        %scan3A_300 = arith.constant 12 : i32
        %scan3A_301 = arith.addi %scan3A_299, %scan3A_300 : i32
        %scan3A_302 = arith.constant 1 : i32
        scf.for %scan3A_516 = %scan3A_299 to %scan3A_301 step %scan3A_302  : i32 {
          %mul3A_517 = arith.constant 1 : i32
          %mul3A_518 = arith.muli %scan3A_516, %mul3A_517 : i32
          %add3A_519 = arith.constant 0 : i32
          %add3A_520 = arith.addi %add3A_519, %mul3A_518 : i32
          %mul3A_521 = arith.constant 16 : i32
          %mul3A_522 = arith.muli %add3A_520, %mul3A_521 : i32
          %mul3A_523 = arith.constant 16 : i32
          %mul3A_524 = arith.muli %add3A_520, %mul3A_523 : i32
          %add3A_525 = vector.broadcast %mul3A_524 : i32 to vector<16xi32>
          %add3A_526 = arith.addi %iota3A, %add3A_525 : vector<16xi32>
          %get3A_527 = arith.constant 0 : i32
          %get3A_528 = arith.constant 0 : i32
          %get3A_529 = arith.constant 0 : i32
          %get3A_530 = tpu.memref_slice %run_scoped3A[%rem3A_294, %get3A_528, %get3A_529] : memref<2x1x200xi32, #tpu.memory_space<vmem>> -> memref<1x1x200xi32, #tpu.memory_space<vmem>>
          %get3A_531 = tpu.memref_squeeze %get3A_530 : memref<1x1x200xi32, #tpu.memory_space<vmem>> -> memref<1x200xi32, #tpu.memory_space<vmem>>
          %get3A_532 = arith.index_cast %get3A_527 : i32 to index
          %get3A_533 = arith.index_cast %mul3A_522 : i32 to index
          %get3A_534 = tpu.vector_load %get3A_531[%get3A_532, %get3A_533] {strides = array<i32>} : memref<1x200xi32, #tpu.memory_space<vmem>>, vector<16xi32>,
          %mul3A_535 = arith.constant 54 : i32
          %mul3A_536 = vector.broadcast %mul3A_535 : i32 to vector<16xi32>
          %mul3A_537 = arith.muli %get3A_534, %mul3A_536 : vector<16xi32>
          %get3A_538 = arith.constant 0 : i32
          %get3A_539 = arith.constant 0 : i32
          %get3A_540 = arith.constant 0 : i32
          %get3A_541 = tpu.memref_slice %run_scoped3A_38[%rem3A_296, %get3A_539, %get3A_540] : memref<2x1x200xi32, #tpu.memory_space<vmem>> -> memref<1x1x200xi32, #tpu.memory_space<vmem>>
          %get3A_542 = tpu.memref_squeeze %get3A_541 : memref<1x1x200xi32, #tpu.memory_space<vmem>> -> memref<1x200xi32, #tpu.memory_space<vmem>>
          %get3A_543 = arith.index_cast %get3A_538 : i32 to index
          %get3A_544 = arith.index_cast %mul3A_522 : i32 to index
          %get3A_545 = tpu.vector_load %get3A_542[%get3A_543, %get3A_544] {strides = array<i32>} : memref<1x200xi32, #tpu.memory_space<vmem>>, vector<16xi32>,
          %mul3A_546 = arith.constant 9 : i32
          %mul3A_547 = vector.broadcast %mul3A_546 : i32 to vector<16xi32>
          %mul3A_548 = arith.muli %get3A_545, %mul3A_547 : vector<16xi32>
          %add3A_549 = arith.addi %mul3A_537, %mul3A_548 : vector<16xi32>
          %add3A_550 = arith.constant 0 : i32
          %add3A_551 = vector.broadcast %add3A_550 : i32 to vector<16xi32>
          %add3A_552 = arith.addi %add3A_549, %add3A_551 : vector<16xi32>
          %gather3A_553 = tpu.vector_load_idx %arg6[%add3A_552] : memref<1296xf32, #tpu.memory_space<vmem>>[vector<16xi32>], vector<16xf32>,
          %scatter3A_554 = arith.constant 0 : i32
          %scatter3A_555 = arith.constant 0 : i32
          %scatter3A_556 = arith.constant 0 : i32
          %scatter3A_557 = tpu.memref_slice %run_scoped3A_40[%rem3A_298, %scatter3A_554, %scatter3A_555, %scatter3A_556] : memref<2x1x200x9xf32, #tpu.memory_space<vmem>> -> memref<1x1x200x9xf32, #tpu.memory_space<vmem>>
          %scatter3A_558 = tpu.memref_squeeze %scatter3A_557 : memref<1x1x200x9xf32, #tpu.memory_space<vmem>> -> memref<1x200x9xf32, #tpu.memory_space<vmem>>
          tpu.vector_store_idx %scatter3A_558[%mul3A_1, %add3A_526, %add3A_3], %gather3A_553 : memref<1x200x9xf32, #tpu.memory_space<vmem>>[vector<16xi32>, vector<16xi32>, vector<16xi32>], vector<16xf32>,
          %add3A_559 = arith.constant 1 : i32
          %add3A_560 = vector.broadcast %add3A_559 : i32 to vector<16xi32>
          %add3A_561 = arith.addi %add3A_549, %add3A_560 : vector<16xi32>
          %gather3A_562 = tpu.vector_load_idx %arg6[%add3A_561] : memref<1296xf32, #tpu.memory_space<vmem>>[vector<16xi32>], vector<16xf32>,
          %scatter3A_563 = arith.constant 0 : i32
          %scatter3A_564 = arith.constant 0 : i32
          %scatter3A_565 = arith.constant 0 : i32
          %scatter3A_566 = tpu.memref_slice %run_scoped3A_40[%rem3A_298, %scatter3A_563, %scatter3A_564, %scatter3A_565] : memref<2x1x200x9xf32, #tpu.memory_space<vmem>> -> memref<1x1x200x9xf32, #tpu.memory_space<vmem>>
          %scatter3A_567 = tpu.memref_squeeze %scatter3A_566 : memref<1x1x200x9xf32, #tpu.memory_space<vmem>> -> memref<1x200x9xf32, #tpu.memory_space<vmem>>
          tpu.vector_store_idx %scatter3A_567[%mul3A_1, %add3A_526, %add3A_6], %gather3A_562 : memref<1x200x9xf32, #tpu.memory_space<vmem>>[vector<16xi32>, vector<16xi32>, vector<16xi32>], vector<16xf32>,
          %add3A_568 = arith.constant 2 : i32
          %add3A_569 = vector.broadcast %add3A_568 : i32 to vector<16xi32>
          %add3A_570 = arith.addi %add3A_549, %add3A_569 : vector<16xi32>
          %gather3A_571 = tpu.vector_load_idx %arg6[%add3A_570] : memref<1296xf32, #tpu.memory_space<vmem>>[vector<16xi32>], vector<16xf32>,
          %scatter3A_572 = arith.constant 0 : i32
          %scatter3A_573 = arith.constant 0 : i32
          %scatter3A_574 = arith.constant 0 : i32
          %scatter3A_575 = tpu.memref_slice %run_scoped3A_40[%rem3A_298, %scatter3A_572, %scatter3A_573, %scatter3A_574] : memref<2x1x200x9xf32, #tpu.memory_space<vmem>> -> memref<1x1x200x9xf32, #tpu.memory_space<vmem>>
          %scatter3A_576 = tpu.memref_squeeze %scatter3A_575 : memref<1x1x200x9xf32, #tpu.memory_space<vmem>> -> memref<1x200x9xf32, #tpu.memory_space<vmem>>
          tpu.vector_store_idx %scatter3A_576[%mul3A_1, %add3A_526, %add3A_9], %gather3A_571 : memref<1x200x9xf32, #tpu.memory_space<vmem>>[vector<16xi32>, vector<16xi32>, vector<16xi32>], vector<16xf32>,
          %add3A_577 = arith.constant 3 : i32
          %add3A_578 = vector.broadcast %add3A_577 : i32 to vector<16xi32>
          %add3A_579 = arith.addi %add3A_549, %add3A_578 : vector<16xi32>
          %gather3A_580 = tpu.vector_load_idx %arg6[%add3A_579] : memref<1296xf32, #tpu.memory_space<vmem>>[vector<16xi32>], vector<16xf32>,
          %scatter3A_581 = arith.constant 0 : i32
          %scatter3A_582 = arith.constant 0 : i32
          %scatter3A_583 = arith.constant 0 : i32
          %scatter3A_584 = tpu.memref_slice %run_scoped3A_40[%rem3A_298, %scatter3A_581, %scatter3A_582, %scatter3A_583] : memref<2x1x200x9xf32, #tpu.memory_space<vmem>> -> memref<1x1x200x9xf32, #tpu.memory_space<vmem>>
          %scatter3A_585 = tpu.memref_squeeze %scatter3A_584 : memref<1x1x200x9xf32, #tpu.memory_space<vmem>> -> memref<1x200x9xf32, #tpu.memory_space<vmem>>
          tpu.vector_store_idx %scatter3A_585[%mul3A_1, %add3A_526, %add3A_12], %gather3A_580 : memref<1x200x9xf32, #tpu.memory_space<vmem>>[vector<16xi32>, vector<16xi32>, vector<16xi32>], vector<16xf32>,
          %add3A_586 = arith.constant 4 : i32
          %add3A_587 = vector.broadcast %add3A_586 : i32 to vector<16xi32>
          %add3A_588 = arith.addi %add3A_549, %add3A_587 : vector<16xi32>
          %gather3A_589 = tpu.vector_load_idx %arg6[%add3A_588] : memref<1296xf32, #tpu.memory_space<vmem>>[vector<16xi32>], vector<16xf32>,
          %scatter3A_590 = arith.constant 0 : i32
          %scatter3A_591 = arith.constant 0 : i32
          %scatter3A_592 = arith.constant 0 : i32
          %scatter3A_593 = tpu.memref_slice %run_scoped3A_40[%rem3A_298, %scatter3A_590, %scatter3A_591, %scatter3A_592] : memref<2x1x200x9xf32, #tpu.memory_space<vmem>> -> memref<1x1x200x9xf32, #tpu.memory_space<vmem>>
          %scatter3A_594 = tpu.memref_squeeze %scatter3A_593 : memref<1x1x200x9xf32, #tpu.memory_space<vmem>> -> memref<1x200x9xf32, #tpu.memory_space<vmem>>
          tpu.vector_store_idx %scatter3A_594[%mul3A_1, %add3A_526, %add3A_15], %gather3A_589 : memref<1x200x9xf32, #tpu.memory_space<vmem>>[vector<16xi32>, vector<16xi32>, vector<16xi32>], vector<16xf32>,
          %add3A_595 = arith.constant 5 : i32
          %add3A_596 = vector.broadcast %add3A_595 : i32 to vector<16xi32>
          %add3A_597 = arith.addi %add3A_549, %add3A_596 : vector<16xi32>
          %gather3A_598 = tpu.vector_load_idx %arg6[%add3A_597] : memref<1296xf32, #tpu.memory_space<vmem>>[vector<16xi32>], vector<16xf32>,
          %scatter3A_599 = arith.constant 0 : i32
          %scatter3A_600 = arith.constant 0 : i32
          %scatter3A_601 = arith.constant 0 : i32
          %scatter3A_602 = tpu.memref_slice %run_scoped3A_40[%rem3A_298, %scatter3A_599, %scatter3A_600, %scatter3A_601] : memref<2x1x200x9xf32, #tpu.memory_space<vmem>> -> memref<1x1x200x9xf32, #tpu.memory_space<vmem>>
          %scatter3A_603 = tpu.memref_squeeze %scatter3A_602 : memref<1x1x200x9xf32, #tpu.memory_space<vmem>> -> memref<1x200x9xf32, #tpu.memory_space<vmem>>
          tpu.vector_store_idx %scatter3A_603[%mul3A_1, %add3A_526, %add3A_18], %gather3A_598 : memref<1x200x9xf32, #tpu.memory_space<vmem>>[vector<16xi32>, vector<16xi32>, vector<16xi32>], vector<16xf32>,
          %add3A_604 = arith.constant 6 : i32
          %add3A_605 = vector.broadcast %add3A_604 : i32 to vector<16xi32>
          %add3A_606 = arith.addi %add3A_549, %add3A_605 : vector<16xi32>
          %gather3A_607 = tpu.vector_load_idx %arg6[%add3A_606] : memref<1296xf32, #tpu.memory_space<vmem>>[vector<16xi32>], vector<16xf32>,
          %scatter3A_608 = arith.constant 0 : i32
          %scatter3A_609 = arith.constant 0 : i32
          %scatter3A_610 = arith.constant 0 : i32
          %scatter3A_611 = tpu.memref_slice %run_scoped3A_40[%rem3A_298, %scatter3A_608, %scatter3A_609, %scatter3A_610] : memref<2x1x200x9xf32, #tpu.memory_space<vmem>> -> memref<1x1x200x9xf32, #tpu.memory_space<vmem>>
          %scatter3A_612 = tpu.memref_squeeze %scatter3A_611 : memref<1x1x200x9xf32, #tpu.memory_space<vmem>> -> memref<1x200x9xf32, #tpu.memory_space<vmem>>
          tpu.vector_store_idx %scatter3A_612[%mul3A_1, %add3A_526, %add3A_21], %gather3A_607 : memref<1x200x9xf32, #tpu.memory_space<vmem>>[vector<16xi32>, vector<16xi32>, vector<16xi32>], vector<16xf32>,
          %add3A_613 = arith.constant 7 : i32
          %add3A_614 = vector.broadcast %add3A_613 : i32 to vector<16xi32>
          %add3A_615 = arith.addi %add3A_549, %add3A_614 : vector<16xi32>
          %gather3A_616 = tpu.vector_load_idx %arg6[%add3A_615] : memref<1296xf32, #tpu.memory_space<vmem>>[vector<16xi32>], vector<16xf32>,
          %scatter3A_617 = arith.constant 0 : i32
          %scatter3A_618 = arith.constant 0 : i32
          %scatter3A_619 = arith.constant 0 : i32
          %scatter3A_620 = tpu.memref_slice %run_scoped3A_40[%rem3A_298, %scatter3A_617, %scatter3A_618, %scatter3A_619] : memref<2x1x200x9xf32, #tpu.memory_space<vmem>> -> memref<1x1x200x9xf32, #tpu.memory_space<vmem>>
          %scatter3A_621 = tpu.memref_squeeze %scatter3A_620 : memref<1x1x200x9xf32, #tpu.memory_space<vmem>> -> memref<1x200x9xf32, #tpu.memory_space<vmem>>
          tpu.vector_store_idx %scatter3A_621[%mul3A_1, %add3A_526, %add3A_24], %gather3A_616 : memref<1x200x9xf32, #tpu.memory_space<vmem>>[vector<16xi32>, vector<16xi32>, vector<16xi32>], vector<16xf32>,
          %add3A_622 = arith.constant 8 : i32
          %add3A_623 = vector.broadcast %add3A_622 : i32 to vector<16xi32>
          %add3A_624 = arith.addi %add3A_549, %add3A_623 : vector<16xi32>
          %gather3A_625 = tpu.vector_load_idx %arg6[%add3A_624] : memref<1296xf32, #tpu.memory_space<vmem>>[vector<16xi32>], vector<16xf32>,
          %scatter3A_626 = arith.constant 0 : i32
          %scatter3A_627 = arith.constant 0 : i32
          %scatter3A_628 = arith.constant 0 : i32
          %scatter3A_629 = tpu.memref_slice %run_scoped3A_40[%rem3A_298, %scatter3A_626, %scatter3A_627, %scatter3A_628] : memref<2x1x200x9xf32, #tpu.memory_space<vmem>> -> memref<1x1x200x9xf32, #tpu.memory_space<vmem>>
          %scatter3A_630 = tpu.memref_squeeze %scatter3A_629 : memref<1x1x200x9xf32, #tpu.memory_space<vmem>> -> memref<1x200x9xf32, #tpu.memory_space<vmem>>
          tpu.vector_store_idx %scatter3A_630[%mul3A_1, %add3A_526, %add3A_27], %gather3A_625 : memref<1x200x9xf32, #tpu.memory_space<vmem>>[vector<16xi32>, vector<16xi32>, vector<16xi32>], vector<16xf32>,
        }
        %scan3A_303 = arith.constant 12 : i32
        %add3A_304 = arith.constant 184 : i32
        %add3A_305 = vector.broadcast %add3A_304 : i32 to vector<16xi32>
        %add3A_306 = arith.addi %iota3A, %add3A_305 : vector<16xi32>
        %get3A = arith.constant 0 : i32
        %get3A_307 = arith.constant 0 : i32
        %get3A_308 = arith.constant 0 : i32
        %get3A_309 = tpu.memref_slice %run_scoped3A[%rem3A_294, %get3A_307, %get3A_308] : memref<2x1x200xi32, #tpu.memory_space<vmem>> -> memref<1x1x200xi32, #tpu.memory_space<vmem>>
        %get3A_310 = tpu.memref_squeeze %get3A_309 : memref<1x1x200xi32, #tpu.memory_space<vmem>> -> memref<1x200xi32, #tpu.memory_space<vmem>>
        %get3A_311 = arith.index_cast %get3A : i32 to index
        %get3A_312 = arith.constant 184 : index
        %get3A_313 = tpu.vector_load %get3A_310[%get3A_311, %get3A_312] {strides = array<i32>} : memref<1x200xi32, #tpu.memory_space<vmem>>, vector<16xi32>,
        %mul3A_314 = arith.constant 54 : i32
        %mul3A_315 = vector.broadcast %mul3A_314 : i32 to vector<16xi32>
        %mul3A_316 = arith.muli %get3A_313, %mul3A_315 : vector<16xi32>
        %get3A_317 = arith.constant 0 : i32
        %get3A_318 = arith.constant 0 : i32
        %get3A_319 = arith.constant 0 : i32
        %get3A_320 = tpu.memref_slice %run_scoped3A_38[%rem3A_296, %get3A_318, %get3A_319] : memref<2x1x200xi32, #tpu.memory_space<vmem>> -> memref<1x1x200xi32, #tpu.memory_space<vmem>>
        %get3A_321 = tpu.memref_squeeze %get3A_320 : memref<1x1x200xi32, #tpu.memory_space<vmem>> -> memref<1x200xi32, #tpu.memory_space<vmem>>
        %get3A_322 = arith.index_cast %get3A_317 : i32 to index
        %get3A_323 = arith.constant 184 : index
        %get3A_324 = tpu.vector_load %get3A_321[%get3A_322, %get3A_323] {strides = array<i32>} : memref<1x200xi32, #tpu.memory_space<vmem>>, vector<16xi32>,
        %mul3A_325 = arith.constant 9 : i32
        %mul3A_326 = vector.broadcast %mul3A_325 : i32 to vector<16xi32>
        %mul3A_327 = arith.muli %get3A_324, %mul3A_326 : vector<16xi32>
        %add3A_328 = arith.addi %mul3A_316, %mul3A_327 : vector<16xi32>
        %add3A_329 = arith.constant 0 : i32
        %add3A_330 = vector.broadcast %add3A_329 : i32 to vector<16xi32>
        %add3A_331 = arith.addi %add3A_328, %add3A_330 : vector<16xi32>
        %gather3A = tpu.vector_load_idx %arg6[%add3A_331] : memref<1296xf32, #tpu.memory_space<vmem>>[vector<16xi32>], vector<16xf32>,
        %scatter3A = arith.constant 0 : i32
        %scatter3A_332 = arith.constant 0 : i32
        %scatter3A_333 = arith.constant 0 : i32
        %scatter3A_334 = tpu.memref_slice %run_scoped3A_40[%rem3A_298, %scatter3A, %scatter3A_332, %scatter3A_333] : memref<2x1x200x9xf32, #tpu.memory_space<vmem>> -> memref<1x1x200x9xf32, #tpu.memory_space<vmem>>
        %scatter3A_335 = tpu.memref_squeeze %scatter3A_334 : memref<1x1x200x9xf32, #tpu.memory_space<vmem>> -> memref<1x200x9xf32, #tpu.memory_space<vmem>>
        tpu.vector_store_idx %scatter3A_335[%mul3A_1, %add3A_306, %add3A_3], %gather3A : memref<1x200x9xf32, #tpu.memory_space<vmem>>[vector<16xi32>, vector<16xi32>, vector<16xi32>], vector<16xf32>,
        %add3A_336 = arith.constant 1 : i32
        %add3A_337 = vector.broadcast %add3A_336 : i32 to vector<16xi32>
        %add3A_338 = arith.addi %add3A_328, %add3A_337 : vector<16xi32>
        %gather3A_339 = tpu.vector_load_idx %arg6[%add3A_338] : memref<1296xf32, #tpu.memory_space<vmem>>[vector<16xi32>], vector<16xf32>,
        %scatter3A_340 = arith.constant 0 : i32
        %scatter3A_341 = arith.constant 0 : i32
        %scatter3A_342 = arith.constant 0 : i32
        %scatter3A_343 = tpu.memref_slice %run_scoped3A_40[%rem3A_298, %scatter3A_340, %scatter3A_341, %scatter3A_342] : memref<2x1x200x9xf32, #tpu.memory_space<vmem>> -> memref<1x1x200x9xf32, #tpu.memory_space<vmem>>
        %scatter3A_344 = tpu.memref_squeeze %scatter3A_343 : memref<1x1x200x9xf32, #tpu.memory_space<vmem>> -> memref<1x200x9xf32, #tpu.memory_space<vmem>>
        tpu.vector_store_idx %scatter3A_344[%mul3A_1, %add3A_306, %add3A_6], %gather3A_339 : memref<1x200x9xf32, #tpu.memory_space<vmem>>[vector<16xi32>, vector<16xi32>, vector<16xi32>], vector<16xf32>,
        %add3A_345 = arith.constant 2 : i32
        %add3A_346 = vector.broadcast %add3A_345 : i32 to vector<16xi32>
        %add3A_347 = arith.addi %add3A_328, %add3A_346 : vector<16xi32>
        %gather3A_348 = tpu.vector_load_idx %arg6[%add3A_347] : memref<1296xf32, #tpu.memory_space<vmem>>[vector<16xi32>], vector<16xf32>,
        %scatter3A_349 = arith.constant 0 : i32
        %scatter3A_350 = arith.constant 0 : i32
        %scatter3A_351 = arith.constant 0 : i32
        %scatter3A_352 = tpu.memref_slice %run_scoped3A_40[%rem3A_298, %scatter3A_349, %scatter3A_350, %scatter3A_351] : memref<2x1x200x9xf32, #tpu.memory_space<vmem>> -> memref<1x1x200x9xf32, #tpu.memory_space<vmem>>
        %scatter3A_353 = tpu.memref_squeeze %scatter3A_352 : memref<1x1x200x9xf32, #tpu.memory_space<vmem>> -> memref<1x200x9xf32, #tpu.memory_space<vmem>>
        tpu.vector_store_idx %scatter3A_353[%mul3A_1, %add3A_306, %add3A_9], %gather3A_348 : memref<1x200x9xf32, #tpu.memory_space<vmem>>[vector<16xi32>, vector<16xi32>, vector<16xi32>], vector<16xf32>,
        %add3A_354 = arith.constant 3 : i32
        %add3A_355 = vector.broadcast %add3A_354 : i32 to vector<16xi32>
        %add3A_356 = arith.addi %add3A_328, %add3A_355 : vector<16xi32>
        %gather3A_357 = tpu.vector_load_idx %arg6[%add3A_356] : memref<1296xf32, #tpu.memory_space<vmem>>[vector<16xi32>], vector<16xf32>,
        %scatter3A_358 = arith.constant 0 : i32
        %scatter3A_359 = arith.constant 0 : i32
        %scatter3A_360 = arith.constant 0 : i32
        %scatter3A_361 = tpu.memref_slice %run_scoped3A_40[%rem3A_298, %scatter3A_358, %scatter3A_359, %scatter3A_360] : memref<2x1x200x9xf32, #tpu.memory_space<vmem>> -> memref<1x1x200x9xf32, #tpu.memory_space<vmem>>
        %scatter3A_362 = tpu.memref_squeeze %scatter3A_361 : memref<1x1x200x9xf32, #tpu.memory_space<vmem>> -> memref<1x200x9xf32, #tpu.memory_space<vmem>>
        tpu.vector_store_idx %scatter3A_362[%mul3A_1, %add3A_306, %add3A_12], %gather3A_357 : memref<1x200x9xf32, #tpu.memory_space<vmem>>[vector<16xi32>, vector<16xi32>, vector<16xi32>], vector<16xf32>,
        %add3A_363 = arith.constant 4 : i32
        %add3A_364 = vector.broadcast %add3A_363 : i32 to vector<16xi32>
        %add3A_365 = arith.addi %add3A_328, %add3A_364 : vector<16xi32>
        %gather3A_366 = tpu.vector_load_idx %arg6[%add3A_365] : memref<1296xf32, #tpu.memory_space<vmem>>[vector<16xi32>], vector<16xf32>,
        %scatter3A_367 = arith.constant 0 : i32
        %scatter3A_368 = arith.constant 0 : i32
        %scatter3A_369 = arith.constant 0 : i32
        %scatter3A_370 = tpu.memref_slice %run_scoped3A_40[%rem3A_298, %scatter3A_367, %scatter3A_368, %scatter3A_369] : memref<2x1x200x9xf32, #tpu.memory_space<vmem>> -> memref<1x1x200x9xf32, #tpu.memory_space<vmem>>
        %scatter3A_371 = tpu.memref_squeeze %scatter3A_370 : memref<1x1x200x9xf32, #tpu.memory_space<vmem>> -> memref<1x200x9xf32, #tpu.memory_space<vmem>>
        tpu.vector_store_idx %scatter3A_371[%mul3A_1, %add3A_306, %add3A_15], %gather3A_366 : memref<1x200x9xf32, #tpu.memory_space<vmem>>[vector<16xi32>, vector<16xi32>, vector<16xi32>], vector<16xf32>,
        %add3A_372 = arith.constant 5 : i32
        %add3A_373 = vector.broadcast %add3A_372 : i32 to vector<16xi32>
        %add3A_374 = arith.addi %add3A_328, %add3A_373 : vector<16xi32>
        %gather3A_375 = tpu.vector_load_idx %arg6[%add3A_374] : memref<1296xf32, #tpu.memory_space<vmem>>[vector<16xi32>], vector<16xf32>,
        %scatter3A_376 = arith.constant 0 : i32
        %scatter3A_377 = arith.constant 0 : i32
        %scatter3A_378 = arith.constant 0 : i32
        %scatter3A_379 = tpu.memref_slice %run_scoped3A_40[%rem3A_298, %scatter3A_376, %scatter3A_377, %scatter3A_378] : memref<2x1x200x9xf32, #tpu.memory_space<vmem>> -> memref<1x1x200x9xf32, #tpu.memory_space<vmem>>
        %scatter3A_380 = tpu.memref_squeeze %scatter3A_379 : memref<1x1x200x9xf32, #tpu.memory_space<vmem>> -> memref<1x200x9xf32, #tpu.memory_space<vmem>>
        tpu.vector_store_idx %scatter3A_380[%mul3A_1, %add3A_306, %add3A_18], %gather3A_375 : memref<1x200x9xf32, #tpu.memory_space<vmem>>[vector<16xi32>, vector<16xi32>, vector<16xi32>], vector<16xf32>,
        %add3A_381 = arith.constant 6 : i32
        %add3A_382 = vector.broadcast %add3A_381 : i32 to vector<16xi32>
        %add3A_383 = arith.addi %add3A_328, %add3A_382 : vector<16xi32>
        %gather3A_384 = tpu.vector_load_idx %arg6[%add3A_383] : memref<1296xf32, #tpu.memory_space<vmem>>[vector<16xi32>], vector<16xf32>,
        %scatter3A_385 = arith.constant 0 : i32
        %scatter3A_386 = arith.constant 0 : i32
        %scatter3A_387 = arith.constant 0 : i32
        %scatter3A_388 = tpu.memref_slice %run_scoped3A_40[%rem3A_298, %scatter3A_385, %scatter3A_386, %scatter3A_387] : memref<2x1x200x9xf32, #tpu.memory_space<vmem>> -> memref<1x1x200x9xf32, #tpu.memory_space<vmem>>
        %scatter3A_389 = tpu.memref_squeeze %scatter3A_388 : memref<1x1x200x9xf32, #tpu.memory_space<vmem>> -> memref<1x200x9xf32, #tpu.memory_space<vmem>>
        tpu.vector_store_idx %scatter3A_389[%mul3A_1, %add3A_306, %add3A_21], %gather3A_384 : memref<1x200x9xf32, #tpu.memory_space<vmem>>[vector<16xi32>, vector<16xi32>, vector<16xi32>], vector<16xf32>,
        %add3A_390 = arith.constant 7 : i32
        %add3A_391 = vector.broadcast %add3A_390 : i32 to vector<16xi32>
        %add3A_392 = arith.addi %add3A_328, %add3A_391 : vector<16xi32>
        %gather3A_393 = tpu.vector_load_idx %arg6[%add3A_392] : memref<1296xf32, #tpu.memory_space<vmem>>[vector<16xi32>], vector<16xf32>,
        %scatter3A_394 = arith.constant 0 : i32
        %scatter3A_395 = arith.constant 0 : i32
        %scatter3A_396 = arith.constant 0 : i32
        %scatter3A_397 = tpu.memref_slice %run_scoped3A_40[%rem3A_298, %scatter3A_394, %scatter3A_395, %scatter3A_396] : memref<2x1x200x9xf32, #tpu.memory_space<vmem>> -> memref<1x1x200x9xf32, #tpu.memory_space<vmem>>
        %scatter3A_398 = tpu.memref_squeeze %scatter3A_397 : memref<1x1x200x9xf32, #tpu.memory_space<vmem>> -> memref<1x200x9xf32, #tpu.memory_space<vmem>>
        tpu.vector_store_idx %scatter3A_398[%mul3A_1, %add3A_306, %add3A_24], %gather3A_393 : memref<1x200x9xf32, #tpu.memory_space<vmem>>[vector<16xi32>, vector<16xi32>, vector<16xi32>], vector<16xf32>,
        %add3A_399 = arith.constant 8 : i32
        %add3A_400 = vector.broadcast %add3A_399 : i32 to vector<16xi32>
        %add3A_401 = arith.addi %add3A_328, %add3A_400 : vector<16xi32>
        %gather3A_402 = tpu.vector_load_idx %arg6[%add3A_401] : memref<1296xf32, #tpu.memory_space<vmem>>[vector<16xi32>], vector<16xf32>,
        %scatter3A_403 = arith.constant 0 : i32
        %scatter3A_404 = arith.constant 0 : i32
        %scatter3A_405 = arith.constant 0 : i32
        %scatter3A_406 = tpu.memref_slice %run_scoped3A_40[%rem3A_298, %scatter3A_403, %scatter3A_404, %scatter3A_405] : memref<2x1x200x9xf32, #tpu.memory_space<vmem>> -> memref<1x1x200x9xf32, #tpu.memory_space<vmem>>
        %scatter3A_407 = tpu.memref_squeeze %scatter3A_406 : memref<1x1x200x9xf32, #tpu.memory_space<vmem>> -> memref<1x200x9xf32, #tpu.memory_space<vmem>>
        tpu.vector_store_idx %scatter3A_407[%mul3A_1, %add3A_306, %add3A_27], %gather3A_402 : memref<1x200x9xf32, #tpu.memory_space<vmem>>[vector<16xi32>, vector<16xi32>, vector<16xi32>], vector<16xf32>,
        "tpu.trace_stop"() : () -> ()
        %ne3A_408 = arith.cmpi ne, %add3A_195, %add3A_213 : i32
        %or3A_409 = arith.constant false
        %or3A_410 = arith.ori %or3A_409, %ne3A_408 : i1
        %or3A_411 = arith.constant false
        %or3A_412 = arith.ori %or3A_410, %or3A_411 : i1
        %or3A_413 = arith.ori %or3A_412, %eq3A_194 : i1
        %convert_element_type3A_414 = arith.extui %or3A_413 : i1 to i32
        %cond3A_415 = arith.constant 0 : i32
        %cond3A_416 = arith.cmpi ne, %convert_element_type3A_414, %cond3A_415 : i32
        scf.if %cond3A_416 {
        } else {
        }
        %and3A_417 = arith.constant false
        %and3A_418 = arith.andi %or3A_413, %and3A_417 : i1
        %ne3A_419 = arith.cmpi ne, %add3A_195, %add3A_213 : i32
        %or3A_420 = arith.constant false
        %or3A_421 = arith.ori %or3A_420, %ne3A_419 : i1
        %or3A_422 = arith.constant false
        %or3A_423 = arith.ori %or3A_421, %or3A_422 : i1
        %or3A_424 = arith.ori %or3A_423, %eq3A_194 : i1
        %convert_element_type3A_425 = arith.extui %or3A_424 : i1 to i32
        %cond3A_426 = arith.constant 0 : i32
        %cond3A_427 = arith.cmpi ne, %convert_element_type3A_425, %cond3A_426 : i32
        scf.if %cond3A_427 {
        } else {
        }
        %and3A_428 = arith.constant false
        %and3A_429 = arith.andi %or3A_424, %and3A_428 : i1
        %ne3A_430 = arith.cmpi ne, %add3A_195, %add3A_213 : i32
        %or3A_431 = arith.constant false
        %or3A_432 = arith.ori %or3A_431, %ne3A_430 : i1
        %or3A_433 = arith.constant false
        %or3A_434 = arith.ori %or3A_432, %or3A_433 : i1
        %or3A_435 = arith.constant false
        %or3A_436 = arith.ori %or3A_434, %or3A_435 : i1
        %or3A_437 = arith.ori %or3A_436, %eq3A_194 : i1
        %convert_element_type3A_438 = arith.extui %or3A_437 : i1 to i32
        %cond3A_439 = arith.constant 0 : i32
        %cond3A_440 = arith.cmpi ne, %convert_element_type3A_438, %cond3A_439 : i32
        scf.if %cond3A_440 {
          "tpu.trace_start"() <{level = 10 : i32, message = "ep_copy_out"}> : () -> ()
          %rem3A_516 = arith.constant 2 : i32
          %rem3A_517 = arith.remui %scan3A_188, %rem3A_516 : i32
          %mul3A_518 = arith.constant 1 : i32
          %mul3A_519 = arith.muli %mul3A_518, %add3A_195 : i32
          %dma_start3A_520 = arith.constant 0 : i32
          %dma_start3A_521 = arith.constant 0 : i32
          %dma_start3A_522 = arith.constant 0 : i32
          %dma_start3A_523 = tpu.memref_slice %run_scoped3A_40[%rem3A_517, %dma_start3A_520, %dma_start3A_521, %dma_start3A_522] : memref<2x1x200x9xf32, #tpu.memory_space<vmem>> -> memref<1x1x200x9xf32, #tpu.memory_space<vmem>>
          %dma_start3A_524 = tpu.memref_squeeze %dma_start3A_523 : memref<1x1x200x9xf32, #tpu.memory_space<vmem>> -> memref<1x200x9xf32, #tpu.memory_space<vmem>>
          %dma_start3A_525 = arith.constant 0 : i32
          %dma_start3A_526 = arith.constant 0 : i32
          %dma_start3A_527 = tpu.memref_slice %arg5[%mul3A_519, %dma_start3A_525, %dma_start3A_526] : memref<16384x200x9xf32, #tpu.memory_space<hbm>> -> memref<1x200x9xf32, #tpu.memory_space<hbm>>
          %dma_start3A_528 = tpu.memref_slice %run_scoped3A_41[%rem3A_517] : memref<2x!tpu.dma_semaphore, #tpu.memory_space<semaphore_mem>> -> memref<1x!tpu.dma_semaphore, #tpu.memory_space<semaphore_mem>>
          %dma_start3A_529 = tpu.memref_squeeze %dma_start3A_528 : memref<1x!tpu.dma_semaphore, #tpu.memory_space<semaphore_mem>> -> memref<!tpu.dma_semaphore, #tpu.memory_space<semaphore_mem>>
          %dma_start3A_530 = arith.constant 0 : i32
          %dma_start3A_531 = arith.constant 0 : i32
          %dma_start3A_532 = tpu.memref_slice %arg5[%mul3A_519, %dma_start3A_530, %dma_start3A_531] : memref<16384x200x9xf32, #tpu.memory_space<hbm>> -> memref<1x200x9xf32, #tpu.memory_space<hbm>>
          %dma_start3A_533 = arith.constant 0 : i32
          %dma_start3A_534 = arith.constant 0 : i32
          %dma_start3A_535 = arith.constant 0 : i32
          %dma_start3A_536 = tpu.memref_slice %run_scoped3A_40[%rem3A_517, %dma_start3A_533, %dma_start3A_534, %dma_start3A_535] : memref<2x1x200x9xf32, #tpu.memory_space<vmem>> -> memref<1x1x200x9xf32, #tpu.memory_space<vmem>>
          %dma_start3A_537 = tpu.memref_squeeze %dma_start3A_536 : memref<1x1x200x9xf32, #tpu.memory_space<vmem>> -> memref<1x200x9xf32, #tpu.memory_space<vmem>>
          tpu.enqueue_dma source(%dma_start3A_537 : memref<1x200x9xf32, #tpu.memory_space<vmem>>) target(%dma_start3A_532 : memref<1x200x9xf32, #tpu.memory_space<hbm>>) target_semaphore(%dma_start3A_529 : memref<!tpu.dma_semaphore, #tpu.memory_space<semaphore_mem>>)
          "tpu.trace_stop"() : () -> ()
        } else {
        }
        %and3A_441 = arith.constant true
        %and3A_442 = arith.andi %or3A_437, %and3A_441 : i1
        %add3A_443 = arith.constant 1 : i32
        %add3A_444 = arith.addi %scan3A_188, %add3A_443 : i32
        %select_n3A_445 = arith.select %and3A_442, %add3A_444, %scan3A_188 : i32
        %ne3A_446 = arith.cmpi ne, %add3A_195, %add3A_204 : i32
        %or3A_447 = arith.constant false
        %or3A_448 = arith.ori %or3A_447, %ne3A_446 : i1
        %or3A_449 = arith.constant false
        %or3A_450 = arith.ori %or3A_448, %or3A_449 : i1
        %not3A_451 = arith.constant true
        %not3A_452 = arith.xori %eq3A_192, %not3A_451 : i1
        %and3A_453 = arith.andi %or3A_450, %not3A_452 : i1
        %convert_element_type3A_454 = arith.extui %and3A_453 : i1 to i32
        %cond3A_455 = arith.constant 0 : i32
        %cond3A_456 = arith.cmpi ne, %convert_element_type3A_454, %cond3A_455 : i32
        scf.if %cond3A_456 {
        } else {
        }
        %and3A_457 = arith.constant false
        %and3A_458 = arith.andi %and3A_453, %and3A_457 : i1
        %ne3A_459 = arith.cmpi ne, %add3A_195, %add3A_204 : i32
        %or3A_460 = arith.constant false
        %or3A_461 = arith.ori %or3A_460, %ne3A_459 : i1
        %or3A_462 = arith.constant false
        %or3A_463 = arith.ori %or3A_461, %or3A_462 : i1
        %not3A_464 = arith.constant true
        %not3A_465 = arith.xori %eq3A_192, %not3A_464 : i1
        %and3A_466 = arith.andi %or3A_463, %not3A_465 : i1
        %convert_element_type3A_467 = arith.extui %and3A_466 : i1 to i32
        %cond3A_468 = arith.constant 0 : i32
        %cond3A_469 = arith.cmpi ne, %convert_element_type3A_467, %cond3A_468 : i32
        scf.if %cond3A_469 {
        } else {
        }
        %and3A_470 = arith.constant false
        %and3A_471 = arith.andi %and3A_466, %and3A_470 : i1
        %ne3A_472 = arith.cmpi ne, %add3A_195, %add3A_204 : i32
        %or3A_473 = arith.constant false
        %or3A_474 = arith.ori %or3A_473, %ne3A_472 : i1
        %or3A_475 = arith.constant false
        %or3A_476 = arith.ori %or3A_474, %or3A_475 : i1
        %or3A_477 = arith.constant false
        %or3A_478 = arith.ori %or3A_476, %or3A_477 : i1
        %not3A_479 = arith.constant true
        %not3A_480 = arith.xori %eq3A_192, %not3A_479 : i1
        %and3A_481 = arith.andi %or3A_478, %not3A_480 : i1
        %convert_element_type3A_482 = arith.extui %and3A_481 : i1 to i32
        %cond3A_483 = arith.constant 0 : i32
        %cond3A_484 = arith.cmpi ne, %convert_element_type3A_482, %cond3A_483 : i32
        scf.if %cond3A_484 {
          "tpu.trace_start"() <{level = 10 : i32, message = "ep_wait_out"}> : () -> ()
          %rem3A_516 = arith.constant 2 : i32
          %rem3A_517 = arith.remui %scan3A_189, %rem3A_516 : i32
          %mul3A_518 = arith.constant 1 : i32
          %mul3A_519 = arith.muli %mul3A_518, %add3A_204 : i32
          %dma_wait3A_520 = arith.constant 0 : i32
          %dma_wait3A_521 = arith.constant 0 : i32
          %dma_wait3A_522 = arith.constant 0 : i32
          %dma_wait3A_523 = tpu.memref_slice %run_scoped3A_40[%rem3A_517, %dma_wait3A_520, %dma_wait3A_521, %dma_wait3A_522] : memref<2x1x200x9xf32, #tpu.memory_space<vmem>> -> memref<1x1x200x9xf32, #tpu.memory_space<vmem>>
          %dma_wait3A_524 = tpu.memref_squeeze %dma_wait3A_523 : memref<1x1x200x9xf32, #tpu.memory_space<vmem>> -> memref<1x200x9xf32, #tpu.memory_space<vmem>>
          %dma_wait3A_525 = arith.constant 0 : i32
          %dma_wait3A_526 = arith.constant 0 : i32
          %dma_wait3A_527 = tpu.memref_slice %arg5[%mul3A_519, %dma_wait3A_525, %dma_wait3A_526] : memref<16384x200x9xf32, #tpu.memory_space<hbm>> -> memref<1x200x9xf32, #tpu.memory_space<hbm>>
          %dma_wait3A_528 = tpu.memref_slice %run_scoped3A_41[%rem3A_517] : memref<2x!tpu.dma_semaphore, #tpu.memory_space<semaphore_mem>> -> memref<1x!tpu.dma_semaphore, #tpu.memory_space<semaphore_mem>>
          %dma_wait3A_529 = tpu.memref_squeeze %dma_wait3A_528 : memref<1x!tpu.dma_semaphore, #tpu.memory_space<semaphore_mem>> -> memref<!tpu.dma_semaphore, #tpu.memory_space<semaphore_mem>>
          %dma_wait3A_530 = arith.constant 0 : i32
          %dma_wait3A_531 = arith.constant 0 : i32
          %dma_wait3A_532 = tpu.memref_slice %arg5[%mul3A_519, %dma_wait3A_530, %dma_wait3A_531] : memref<16384x200x9xf32, #tpu.memory_space<hbm>> -> memref<1x200x9xf32, #tpu.memory_space<hbm>>
          %dma_wait3A_533 = arith.constant 0 : i32
          %dma_wait3A_534 = arith.constant 0 : i32
          %dma_wait3A_535 = arith.constant 0 : i32
          %dma_wait3A_536 = tpu.memref_slice %run_scoped3A_40[%rem3A_517, %dma_wait3A_533, %dma_wait3A_534, %dma_wait3A_535] : memref<2x1x200x9xf32, #tpu.memory_space<vmem>> -> memref<1x1x200x9xf32, #tpu.memory_space<vmem>>
          %dma_wait3A_537 = tpu.memref_squeeze %dma_wait3A_536 : memref<1x1x200x9xf32, #tpu.memory_space<vmem>> -> memref<1x200x9xf32, #tpu.memory_space<vmem>>
          tpu.wait_dma2 semaphore(%dma_wait3A_529 : memref<!tpu.dma_semaphore, #tpu.memory_space<semaphore_mem>>) src(%dma_wait3A_537 : memref<1x200x9xf32, #tpu.memory_space<vmem>>) dst(%dma_wait3A_532 : memref<1x200x9xf32, #tpu.memory_space<hbm>>)
          "tpu.trace_stop"() : () -> ()
        } else {
        }
        %and3A_485 = arith.constant true
        %and3A_486 = arith.andi %and3A_481, %and3A_485 : i1
        %add3A_487 = arith.constant 1 : i32
        %add3A_488 = arith.addi %scan3A_189, %add3A_487 : i32
        %select_n3A_489 = arith.select %and3A_486, %add3A_488, %scan3A_189 : i32
        %ne3A_490 = arith.cmpi ne, %add3A_195, %add3A_213 : i32
        %or3A_491 = arith.constant false
        %or3A_492 = arith.ori %or3A_491, %ne3A_490 : i1
        %or3A_493 = arith.constant false
        %or3A_494 = arith.ori %or3A_492, %or3A_493 : i1
        %or3A_495 = arith.ori %or3A_494, %eq3A_194 : i1
        %add3A_496 = arith.constant 1 : i32
        %add3A_497 = arith.addi %scan3A_185, %add3A_496 : i32
        %select_n3A_498 = arith.select %or3A_495, %add3A_497, %scan3A_185 : i32
        %ne3A_499 = arith.cmpi ne, %add3A_195, %add3A_213 : i32
        %or3A_500 = arith.constant false
        %or3A_501 = arith.ori %or3A_500, %ne3A_499 : i1
        %or3A_502 = arith.constant false
        %or3A_503 = arith.ori %or3A_501, %or3A_502 : i1
        %or3A_504 = arith.ori %or3A_503, %eq3A_194 : i1
        %add3A_505 = arith.constant 1 : i32
        %add3A_506 = arith.addi %scan3A_187, %add3A_505 : i32
        %select_n3A_507 = arith.select %or3A_504, %add3A_506, %scan3A_187 : i32
        %add3A_508 = arith.constant 1 : i32
        %add3A_509 = arith.addi %scan3A_190, %add3A_508 : i32
        %select_n3A_510 = arith.constant true
        %select_n3A_511 = arith.select %select_n3A_510, %add3A_509, %scan3A_190 : i32
        %eq3A_512 = arith.constant 512 : i32
        %eq3A_513 = arith.cmpi eq, %select_n3A_511, %eq3A_512 : i32
        %select_n3A_514 = arith.constant 0 : i32
        %select_n3A_515 = arith.select %eq3A_513, %select_n3A_514, %select_n3A_511 : i32
        scf.yield %select_n3A_233, %select_n3A_498, %select_n3A_251, %select_n3A_507, %select_n3A_445, %select_n3A_489, %select_n3A_515 : i32, i32, i32, i32, i32, i32, i32
      }
      %scan3A_126 = arith.constant 512 : i32
      %sub3A = arith.constant 1 : i32
      %sub3A_127 = arith.subi %scan3A_125#6, %sub3A : i32
      %select_n3A_128 = arith.constant true
      %select_n3A_129 = arith.select %select_n3A_128, %sub3A_127, %scan3A_125#6 : i32
      %eq3A_130 = arith.constant -1 : i32
      %eq3A_131 = arith.cmpi eq, %select_n3A_129, %eq3A_130 : i32
      %select_n3A_132 = arith.constant 511 : i32
      %select_n3A_133 = arith.select %eq3A_131, %select_n3A_132, %select_n3A_129 : i32
      %add3A_134 = arith.addi %select_n3A_133, %mul3A_36 : i32
      %sub3A_135 = arith.constant 1 : i32
      %sub3A_136 = arith.subi %select_n3A_133, %sub3A_135 : i32
      %select_n3A_137 = arith.constant true
      %select_n3A_138 = arith.select %select_n3A_137, %sub3A_136, %select_n3A_133 : i32
      %eq3A_139 = arith.constant -1 : i32
      %eq3A_140 = arith.cmpi eq, %select_n3A_138, %eq3A_139 : i32
      %select_n3A_141 = arith.constant 511 : i32
      %select_n3A_142 = arith.select %eq3A_140, %select_n3A_141, %select_n3A_138 : i32
      %add3A_143 = arith.addi %select_n3A_142, %mul3A_36 : i32
      %add3A_144 = arith.constant 1 : i32
      %add3A_145 = arith.addi %select_n3A_133, %add3A_144 : i32
      %select_n3A_146 = arith.constant true
      %select_n3A_147 = arith.select %select_n3A_146, %add3A_145, %select_n3A_133 : i32
      %eq3A_148 = arith.constant 512 : i32
      %eq3A_149 = arith.cmpi eq, %select_n3A_147, %eq3A_148 : i32
      %select_n3A_150 = arith.constant 0 : i32
      %select_n3A_151 = arith.select %eq3A_149, %select_n3A_150, %select_n3A_147 : i32
      %add3A_152 = arith.addi %select_n3A_151, %mul3A_36 : i32
      %add3A_153 = arith.constant 1 : i32
      %add3A_154 = arith.addi %select_n3A_151, %add3A_153 : i32
      %select_n3A_155 = arith.constant true
      %select_n3A_156 = arith.select %select_n3A_155, %add3A_154, %select_n3A_151 : i32
      %eq3A_157 = arith.constant 512 : i32
      %eq3A_158 = arith.cmpi eq, %select_n3A_156, %eq3A_157 : i32
      %select_n3A_159 = arith.constant 0 : i32
      %select_n3A_160 = arith.select %eq3A_158, %select_n3A_159, %select_n3A_156 : i32
      %add3A_161 = arith.addi %select_n3A_160, %mul3A_36 : i32
      "tpu.trace_start"() <{level = 10 : i32, message = "ep_finalize"}> : () -> ()
      %rem3A_162 = arith.constant 2 : i32
      %rem3A_163 = arith.remui %scan3A_125#5, %rem3A_162 : i32
      %mul3A_164 = arith.constant 1 : i32
      %mul3A_165 = arith.muli %mul3A_164, %add3A_134 : i32
      %dma_wait3A = arith.constant 0 : i32
      %dma_wait3A_166 = arith.constant 0 : i32
      %dma_wait3A_167 = arith.constant 0 : i32
      %dma_wait3A_168 = tpu.memref_slice %run_scoped3A_40[%rem3A_163, %dma_wait3A, %dma_wait3A_166, %dma_wait3A_167] : memref<2x1x200x9xf32, #tpu.memory_space<vmem>> -> memref<1x1x200x9xf32, #tpu.memory_space<vmem>>
      %dma_wait3A_169 = tpu.memref_squeeze %dma_wait3A_168 : memref<1x1x200x9xf32, #tpu.memory_space<vmem>> -> memref<1x200x9xf32, #tpu.memory_space<vmem>>
      %dma_wait3A_170 = arith.constant 0 : i32
      %dma_wait3A_171 = arith.constant 0 : i32
      %dma_wait3A_172 = tpu.memref_slice %arg5[%mul3A_165, %dma_wait3A_170, %dma_wait3A_171] : memref<16384x200x9xf32, #tpu.memory_space<hbm>> -> memref<1x200x9xf32, #tpu.memory_space<hbm>>
      %dma_wait3A_173 = tpu.memref_slice %run_scoped3A_41[%rem3A_163] : memref<2x!tpu.dma_semaphore, #tpu.memory_space<semaphore_mem>> -> memref<1x!tpu.dma_semaphore, #tpu.memory_space<semaphore_mem>>
      %dma_wait3A_174 = tpu.memref_squeeze %dma_wait3A_173 : memref<1x!tpu.dma_semaphore, #tpu.memory_space<semaphore_mem>> -> memref<!tpu.dma_semaphore, #tpu.memory_space<semaphore_mem>>
      %dma_wait3A_175 = arith.constant 0 : i32
      %dma_wait3A_176 = arith.constant 0 : i32
      %dma_wait3A_177 = tpu.memref_slice %arg5[%mul3A_165, %dma_wait3A_175, %dma_wait3A_176] : memref<16384x200x9xf32, #tpu.memory_space<hbm>> -> memref<1x200x9xf32, #tpu.memory_space<hbm>>
      %dma_wait3A_178 = arith.constant 0 : i32
      %dma_wait3A_179 = arith.constant 0 : i32
      %dma_wait3A_180 = arith.constant 0 : i32
      %dma_wait3A_181 = tpu.memref_slice %run_scoped3A_40[%rem3A_163, %dma_wait3A_178, %dma_wait3A_179, %dma_wait3A_180] : memref<2x1x200x9xf32, #tpu.memory_space<vmem>> -> memref<1x1x200x9xf32, #tpu.memory_space<vmem>>
      %dma_wait3A_182 = tpu.memref_squeeze %dma_wait3A_181 : memref<1x1x200x9xf32, #tpu.memory_space<vmem>> -> memref<1x200x9xf32, #tpu.memory_space<vmem>>
      tpu.wait_dma2 semaphore(%dma_wait3A_174 : memref<!tpu.dma_semaphore, #tpu.memory_space<semaphore_mem>>) src(%dma_wait3A_182 : memref<1x200x9xf32, #tpu.memory_space<vmem>>) dst(%dma_wait3A_177 : memref<1x200x9xf32, #tpu.memory_space<hbm>>)
      "tpu.trace_stop"() : () -> ()
      tpu.yield
    }) : () -> ()
    return
  }
}

</mosaic_0001>

<sc_bundles>
// kernel: kernel.3.cloned.1.call-start
scs
__scs_entry_jumppad:
0x0: {  	(pc) =	sbr.rel $0x88, $3  }
0x1: {  	(tag) =	ssettag $0x0;
	lr =	simm.s32 $0x1  }
0x2: {  	[smem:$0x3F9D] =	sst lr;
	_ =	strace $0xD0000000  }
0x3: {  	_ = 	snop  }
0x4: {  	_ = 	snop  }
0x5: {  	_ = 	snop  }
0x6: {  	_ = 	snop  }
0x7: {  	_ = 	snop  }
__scs_overlays_trampoline_lowered:
0x8: {  	[smem:$0x3FAC] =	sst s0  }
0x9: {  	[smem:$0x3FAD] =	sst s1  }
0xa: {  	[smem:$0x3FAE] =	sst s2  }
0xb: {  	[smem:$0x3FAF] =	sst s3  }
0xc: {  	[smem:$0x3FB0] =	sst s4  }
0xd: {  	[smem:$0x3FB1] =	sst s5  }
0xe: {  	[smem:$0x3FB2] =	sst s6  }
0xf: {  	[smem:$0x3FB3] =	sst s7  }
0x10: {  	[smem:$0x3FB4] =	sst s8  }
0x11: {  	[smem:$0x3FB5] =	sst s9;
	s0 =	simm.s32 @!p0 $0x0  }
0x12: {  	s1 =	sld [smem:$0x3F9B];
	s0 =	simm.s32 @p0 $0x1  }
0x13: {  	[smem:$0x3FB6] =	sst s0;
	s0 =	simm.s32 @!p1 $0x0  }
0x14: {  	s2 =	sld [smem:$0x3F9A];
	s0 =	simm.s32 @p1 $0x1  }
0x15: {  	[smem:$0x3FB7] =	sst s0;
	s0 =	simm.s32 @!p2 $0x0  }
0x16: {  	s3 =	sld [smem:$0x3FDB];
	s0 =	simm.s32 @p2 $0x1  }
0x17: {  	s4 =	simm.s32 $0x1BF5;
	[smem:$0x3FB9] =	sst s0  }
0x18: {  	s0 =	sld [smem:$0x3F9C];
	_ =	swait.ge [sflag:s4], $0x0  }
0x19: {  	s7 =	sld [smem:$0x3F9D]  }
0x1a: {  	s8 =	sadd.s32 $0xFFFFE003, lr  }
0x1b: {  	s9 =	sadd.s32 $0xFFFFFEF7, lr;
	s5 =	simm.s32 $0xFFFFFFFF;
	p2 =	slt.u32 s8, $0xFFFFF086  }
0x1c: {  	p1 =	slt.u32 s9, $0xF7A;
	s5 =	simm.s32 @!p2 $0x0  }
0x1d: {  	s5 =	simm.s32 @p1 $0x1;
	p0 =	seq.s32 s7, s2  }
0x1e: {  	s7 =	smul.u32 @!p0 $0xF7A, s2;
	p2 =	seq.s32 @!p0 s5, $0x0  }
0x1f: {  	s9 =	smul.u32 $0xF7A, s1;
	s8 =	simm.s32 @!p0 $0x1BF5;
	p2 =	por !p2, p0  }
0x20: {  	[sflag:s8] =	ssyncset.s32 @!p0 $0xFFFFF086;
	s6 =	sadd.s32 @!p0 s3, s7;
	s7 =	simm.s32 @!p0 $0x108  }
0x21: {  	s3 =	sadd.s32 s3, s9;
	s6 =	sadd.s32 @!p0 $0x88, s6;
	s7 =	simm.s32 @p2 $0x1082  }
0x22: {  	[simem:s7], [sflag:s8] =	dma.local @!p0 [hbm:s6], $0xF7A  }
0x23: {  	s9 =	sor.u32 $0xD0000000, s2;
	s6 =	simm.s32 $0x108;
	_ =	swait.ge @!p0 [sflag:s8], $0x0  }
0x24: {  	s3 =	sadd.s32 $0x88, s3;
	s6 =	simm.s32 @!p1 $0x1082;
	[sflag:s4] =	ssyncset.s32 $0xFFFFF086  }
0x25: {  	[simem:s6], [sflag:s4] =	dma.local [hbm:s3], $0xF7A  }
0x26: {  	[smem:$0x3F9D] =	sst s1;
	(tag) =	ssettag s2;
	_ =	strace s9  }
0x27: {  	s1 =	sld [smem:$0x3FAD]  }
0x28: {  	s2 =	sld [smem:$0x3FAE]  }
0x29: {  	s4 =	sld [smem:$0x3FB0]  }
0x2a: {  	p0 =	seq.s32 s5, $0x0;
	s5 =	sld [smem:$0x3FB1]  }
0x2b: {  	s6 =	sld [smem:$0x3FB2]  }
0x2c: {  	s7 =	sld [smem:$0x3FB3]  }
0x2d: {  	s3 =	simm.s32 $0x108;
	s8 =	sld [smem:$0x3FB4]  }
0x2e: {  	s3 =	simm.s32 @!p0 $0x1082;
	s9 =	sld [smem:$0x3FB5]  }
0x2f: {  	lr =	sadd.s32 s0, s3;
	s0 =	sld [smem:$0x3FAC]  }
0x30: {  	s3 =	sld [smem:$0x3FAF]  }
0x31: {  	[smem:$0x3FB8] =	sst s10  }
0x32: {  	s10 =	sld [smem:$0x3FB6];
	_ =	sdelay $0x3  }
0x33: {  	p0 =	seq.s32 s10, $0x1;
	s10 =	sld [smem:$0x3FB8];
	_ =	sdelay $0x3  }
0x34: {  	[smem:$0x3FB8] =	sst s10  }
0x35: {  	s10 =	sld [smem:$0x3FB7];
	_ =	sdelay $0x3  }
0x36: {  	p1 =	seq.s32 s10, $0x1;
	s10 =	sld [smem:$0x3FB8];
	_ =	sdelay $0x3  }
0x37: {  	[smem:$0x3FB8] =	sst s10  }
0x38: {  	s10 =	sld [smem:$0x3FB9]  }
0x39: {  	_ = 	snop;
	(pc) =	sbr.ind lr, $3  }
0x3a: {  	_ = 	snop  }
0x3b: {  	_ = 	snop  }
0x3c: {  	p2 =	seq.s32 s10, $0x1;
	s10 =	sld [smem:$0x3FB8]  }
0x3d: {  	_ =	shalt  }
0x3e: {  	_ =	shalt  }
0x3f: {  	_ =	shalt  }
0x40: {  	_ =	shalt  }
0x41: {  	_ =	shalt  }
0x42: {  	_ =	shalt  }
0x43: {  	_ =	shalt  }
0x44: {  	_ =	shalt  }
0x45: {  	_ =	shalt  }
0x46: {  	_ =	shalt  }
0x47: {  	_ =	shalt  }
0x48: {  	_ =	shalt  }
0x49: {  	_ =	shalt  }
0x4a: {  	_ =	shalt  }
0x4b: {  	_ =	shalt  }
0x4c: {  	_ =	shalt  }
0x4d: {  	_ =	shalt  }
0x4e: {  	_ =	shalt  }
0x4f: {  	_ =	shalt  }
0x50: {  	_ =	shalt  }
0x51: {  	_ =	shalt  }
0x52: {  	_ =	shalt  }
0x53: {  	_ =	shalt  }
0x54: {  	_ =	shalt  }
0x55: {  	_ =	shalt  }
0x56: {  	_ =	shalt  }
0x57: {  	_ =	shalt  }
0x58: {  	_ =	shalt  }
0x59: {  	_ =	shalt  }
0x5a: {  	_ =	shalt  }
0x5b: {  	_ =	shalt  }
0x5c: {  	_ =	shalt  }
0x5d: {  	_ =	shalt  }
0x5e: {  	_ =	shalt  }
0x5f: {  	_ =	shalt  }
0x60: {  	_ =	shalt  }
0x61: {  	_ =	shalt  }
0x62: {  	_ =	shalt  }
0x63: {  	_ =	shalt  }
0x64: {  	_ =	shalt  }
0x65: {  	_ =	shalt  }
0x66: {  	_ =	shalt  }
0x67: {  	_ =	shalt  }
0x68: {  	_ =	shalt  }
0x69: {  	_ =	shalt  }
0x6a: {  	_ =	shalt  }
0x6b: {  	_ =	shalt  }
0x6c: {  	_ =	shalt  }
0x6d: {  	_ =	shalt  }
0x6e: {  	_ =	shalt  }
0x6f: {  	_ =	shalt  }
0x70: {  	_ =	shalt  }
0x71: {  	_ =	shalt  }
0x72: {  	_ =	shalt  }
0x73: {  	_ =	shalt  }
0x74: {  	_ =	shalt  }
0x75: {  	_ =	shalt  }
0x76: {  	_ =	shalt  }
0x77: {  	_ =	shalt  }
0x78: {  	_ =	shalt  }
0x79: {  	_ =	shalt  }
0x7a: {  	_ =	shalt  }
0x7b: {  	_ =	shalt  }
0x7c: {  	_ =	shalt  }
0x7d: {  	_ =	shalt  }
0x7e: {  	_ =	shalt  }
0x7f: {  	_ =	shalt  }
0x80: {  	_ =	shalt  }
0x81: {  	_ =	shalt  }
0x82: {  	_ =	shalt  }
0x83: {  	_ =	shalt  }
0x84: {  	_ =	shalt  }
0x85: {  	_ =	shalt  }
0x86: {  	_ =	shalt  }
0x87: {  	_ =	shalt  }
.Lfunc_end0:
.L_simem_size_0:
called_computation_lowered:
.L_overlay_start_0:
0x88: {  	s2 =	sld [smem:$0x3FD9]  }
0x89: {  	s3 =	sld [smem:$0x3FFE];
	_ =	sdelay $0x1  }
0x8a: {  	s1 =	srdreg.scid  }
0x8b: {  	s0 =	sand.u32 $0x1, s1  }
0x8c: {  	s17 =	sshll.u32 s0, $0xA;
	s2 =	sadd.s32 s3, s2  }
0x8d: {  	s2 =	sadd.s32 s2, s17  }
0x8e: {  	[smem:$0x3FC4] =	sst s2  }
0x8f: {  	_ = 	snop  }
0x90: {  	s2 =	sld [smem:$0x3FD0];
	(tm) =	ssettm $0x1  }
0x91: {  	s18 =	sld [smem:$0x3FFB];
	_ =	sdelay $0x3  }
0x92: {  	_ =	strace s18  }
0x93: {  	s3 =	sld [smem:$0x3FFC];
	_ =	sdelay $0x3  }
0x94: {  	_ =	strace s3  }
0x95: {  	s3 =	sld [smem:$0x3FFD];
	_ =	sdelay $0x3  }
0x96: {  	_ =	strace s3  }
0x97: {  	_ =	strace $0x8FFFFFFF  }
0x98: {  	s19 =	sld [smem:$0x3FDB];
	_ =	sdelay $0x1  }
0x99: {  	s4 =	simm.s32 $_scs_section_size  }
0x9a: {  	s5 =	simm.s32 $_size__tile_overlayer_lowered;
	s6 =	simm.s32 $_tile_overlayer_lowered  }
0x9b: {  	s22 =	simm.s32 $0x1BFF;
	s21 =	sshll.u32 s6, $0x1;
	s3 =	sadd.s32 s4, s19  }
0x9c: {  	s7 =	simm.s32 $0x0;
	s20 =	sshll.u32 s5, $0x1;
	s5 =	sadd.s32 s21, s3  }
0x9d: {  	[timem:s7], [sflag:s22] =	dma.local [hbm:s5], s20  }
0x9e: {  	_ =	swait.ge [sflag:s22], s20  }
0x9f: {  	s4 =	ssub.s32 $0x0, s20;
	[sflag:s22] =	ssyncset.done $0x0  }
0xa0: {  	[sflag:s22] =	ssyncadd.s32 s4;
	_ =	sdelay $0x1  }
0xa1: {  	s23 =	simm.s32 $0x1B8B  }
0xa2: {  	_ =	swait.ge [sflag:s23], $0x1  }
0xa3: {  	[sflag:s23] =	ssyncset.done $0x0  }
0xa4: {  	s25 =	simm.s32 $0x1B8E;
	s24 =	sld [smem:$0x3FFE];
	[sflag:s23] =	ssyncadd.s32 $0xFFFFFFFF  }
0xa5: {  	s26 =	simm.s32 $execute0_lowered;
	[smem:$0x3FD2] =	sst s25  }
0xa6: {  	s5 =	sshll.u32 s26, $0x1;
	_ =	strace $0x80000046;
	[dreg:$0x1] =	wrdreg $0xFFFFFFFF  }
0xa7: {  	s28 =	simm.s32 $_size_execute0_lowered;
	s3 =	sadd.s32 s3, s5;
	[dreg:$0x0] =	wrdreg $0x0  }
0xa8: {  	s5 =	sshll.u32 s28, $0x1;
	[dreg:$0x2] =	wrdreg s3  }
0xa9: {  	[dreg:$0x3] =	wrdreg s5  }
0xaa: {  	[dreg:$0x4] =	wrdreg $0xC0  }
0xab: {  	_ =	task [dreg:s7], $0x5FFFF  }
0xac: {  	[dreg:$0x1] =	wrdreg $0xFFFFFFFF  }
0xad: {  	[dreg:$0x0] =	wrdreg $0x60  }
0xae: {  	[dreg:$0x2] =	wrdreg s2  }
0xaf: {  	[dreg:$0x3] =	wrdreg s24  }
0xb0: {  	[dreg:$0x4] =	wrdreg $0x9  }
0xb1: {  	_ =	task.clear_ibuf [dreg:s7], $0x5FFFF;
	_ =	strace $0x90000046  }
0xb2: {  	s29 =	simm.s32 $0x9;
	_ =	strace $0x80000051  }
0xb3: {  	_ =	swait.ge [sflag:s29], $0x1  }
0xb4: {  	[sflag:s29] =	ssyncadd.s32 $0xFFFFFFFF  }
0xb5: {  	_ =	strace $0x90000051  }
0xb6: {  	_ =	sfence  }
0xb7: {  	s30 =	sld [smem:$0x0];
	_ =	sdelay $0x2  }
0xb8: {  	s31 =	sshll.u32 s1, $0xD;
	s1 =	sshrl.u32 s1, $0x2  }
0xb9: {  	s3 =	sand.u32 $0x4000, s31;
	s1 =	sadd.s32 s1, s30  }
0xba: {  	s0 =	sor.u32 s3, s0;
	s1 =	sshll.u32 s1, $0x11  }
0xbb: {  	s0 =	sor.u32 s1, s0  }
0xbc: {  	s0 =	sadd.s32 $0x8F2B, s0  }
0xbd: {  	[sflag:s0] =	ssyncadd.remote.s32 $0x1  }
0xbe: {  	_ =	sfence.sel $0xFFFF  }
0xbf: {  	[dreg:$0x0] =	wrdreg $0xFFFFFFFF;
	(pc) =	sbr.abs _section_cstart, $3  }
0xc0: {  	[dreg:$0x1] =	wrdreg $0xFFFFFFFF  }
0xc1: {  	_ =	task.clear_ibuf [dreg:s7], $0x2FFFF;
	_ =	strace $0x9FFFFFFF  }
0xc2: {  	(tm) =	ssettm $0x7FFFFFFF  }
0xc3: {  	_ =	shalt  }
tec
execute0_lowered:
.L_overlay_start_1:
0x0: {  	(tag) =	ssettag $0x1  }
0x1: {  	s1 =	rddreg [dreg:$0x0]  }
0x2: {  	s0 =	rddreg [dreg:$0x1]  }
0x3: {  	s2 =	simm.s32 $0x0;
	s3 =	srdreg.scid;
	s5 =	stileid.u32  }
0x4: {  	s11 =	simm.s32 $0x80;
	s12 =	simm.s32 $0x400;
	s15 =	simm.s32 $0x1  }
0x5: {  	v0 =	vlaneseq.u32;
	s16 =	simm.s32 $0x0;
	[smem:$0x7FF] =	sst s2;
	s4 =	sadd.s32 $0x1600, s0  }
0x6: {  	s3 =	sand.u32 $0x1, s3;
	s6 =	sshll.u32 s5, $0x9;
	s30 =	sadd.s32 $0x1400, s0;
	v0 =	vmul.u32 $0x80, v0  }
0x7: {  	s7 =	sadd.s32 $0x81600, s0;
	s8 =	ssub.s32 $0x2, s3;
	s3 =	sshll.u32 s3, $0xD  }
0x8: {  	_ =	strace $0x80000047;
	s9 =	sshrl.u32 s8, $0x1;
	s6 =	sor.u32 s6, s3;
	v1 =	vadd.s32 $0x5C00, v0;
	v2 =	vadd.s32 $0x5C01, v0;
	v3 =	vadd.s32 $0x5C02, v0  }
0x9: {  	[dreg:$0x3] =	wrdreg s30;
	v4 =	vadd.s32 $0x5C03, v0;
	v5 =	vadd.s32 $0x5C04, v0;
	v6 =	vadd.s32 $0x5C05, v0;
	s31 =	ssub.s32 s8, s9;
	s3 =	sshll.u32 s6, $0x5  }
0xa: {  	v7 =	vadd.s32 $0x5C06, v0;
	v8 =	vadd.s32 $0x5C07, v0;
	v9 =	vadd.s32 $0x5C08, v0;
	s8 =	sadd.s32 s1, s3;
	s9 =	sadd.s32 s4, s3;
	s10 =	smax.u32 s31, $0x1  }
.LBB2_1:
0xb: {  	s0 =	rddreg [dreg:$0x3]  }
0xc: {  	[tilespmem:s2], [sflag:$0x1] =	stream.linear.gather [hbm4b:s0+s2], $0x580, $0x38;
	[tilespmem:$0xD180] =	vst v63  }
0xd: {  	_ =	swait.ge [sflag:s15], $0x580  }
0xe: {  	s30 =	simm.s32 $0x580;
	[sflag:s15] =	ssyncset.done $0x0  }
0xf: {  	s31 =	simm.s32 $0x780;
	s25 =	simm.s32 $0x0;
	[sflag:s15] =	ssyncadd.s32 $0xFFFFFA80  }
0x10: {  	s17 =	simm.s32 $0x0;
	s18 =	simm.s32 $0x0;
	_ =	strace $0x80000048  }
0x11: {  	[tilespmem:s30], [sflag:$0x1] =	stream.strided.gather [hbm4b:s8+s11], $0x100, s12, s11, $0x200038;
	[tilespmem:$0xD180] =	vst v63  }
0x12: {  	s19 =	simm.s32 $0x0;
	s20 =	simm.s32 $0x1;
	s21 =	simm.s32 $0x0  }
0x13: {  	[tilespmem:s31], [sflag:$0x3] =	stream.strided.gather [hbm4b:s9+s11], $0x100, s12, s11, $0x200038;
	[tilespmem:$0xD180] =	vst v63  }
0x14: {  	s22 =	simm.s32 $0x1;
	s23 =	simm.s32 $0x0;
	_ =	strace $0x90000048  }
.LBB2_2:
0x15: {  	s24 =	sadd.s32 $0x1, s25  }
0x16: {  	p0 =	seq.s32 s24, $0x200  }
0x17: {  	s24 =	simm.s32 @p0 $0x0;
	p0 =	seq.s32 s23, $0x1FF  }
0x18: {  	p1 =	seq.s32 @!p0 s25, s24  }
0x19: {  	p2 =	por p1, p0  }
0x1a: {  	s0 =	sadd.s32 @!p2 s6, s24  }
0x1b: {  	s3 =	sshll.u32 @!p2 s24, $0x7;
	s0 =	sshll.u32 @!p2 s0, $0x8  }
0x1c: {  	s13 =	sand.u32 @!p2 $0x1, s22;
	s3 =	sand.u32 @!p2 $0x380, s3;
	s0 =	sand.u32 @!p2 $0xFFFFF800, s0  }
0x1d: {  	_ =	strace @!p2 $0x80000049;
	s28 =	simm.s32 @!p2 $0x80;
	s0 =	sor.u32 @!p2 s3, s0  }
0x1e: {  	s29 =	simm.s32 @!p2 $0x400;
	s3 =	sshll.u32 @!p2 s13, $0x8;
	s0 =	sshrl.u32 @!p2 s0, $0x3  }
0x1f: {  	s13 =	sadd.s32 @!p2 $0x1, s13;
	s3 =	sadd.s32 @!p2 $0x580, s3;
	s26 =	sadd.s32 @!p2 s1, s0  }
0x20: {  	[tilespmem:s3], [sflag:s13] =	stream.strided.gather @!p2 [hbm4b:s26+s28], $0x100, s29, s28, $0x200038;
	[tilespmem:$0xD180] =	vst v63  }
0x21: {  	s3 =	sand.u32 @!p2 $0x1, s20  }
0x22: {  	s0 =	sadd.s32 @!p2 s4, s0;
	_ =	strace @!p2 $0x90000049;
	s13 =	sshll.u32 @!p2 s3, $0x8  }
0x23: {  	s3 =	sadd.s32 @!p2 $0x3, s3;
	_ =	strace @!p2 $0x8000004A;
	s13 =	sadd.s32 @!p2 $0x780, s13  }
0x24: {  	[tilespmem:s13], [sflag:s3] =	stream.strided.gather @!p2 [hbm4b:s0+s28], $0x100, s29, s28, $0x200038;
	[tilespmem:$0xD180] =	vst v63  }
0x25: {  	s0 =	sand.u32 $0x1, s21;
	_ =	strace @!p2 $0x9000004A  }
0x26: {  	s13 =	sadd.s32 $0x1, s0;
	_ =	strace $0x8000004B  }
0x27: {  	_ =	swait.ge [sflag:s13], $0x100  }
0x28: {  	[sflag:s13] =	ssyncset.done $0x0  }
0x29: {  	[sflag:s13] =	ssyncadd.s32 $0xFFFFFF00  }
0x2a: {  	s26 =	sand.u32 $0x1, s19;
	_ =	strace $0x9000004B  }
0x2b: {  	s5 =	sadd.s32 $0x3, s26;
	_ =	strace $0x8000004C  }
0x2c: {  	_ =	swait.ge [sflag:s5], $0x100  }
0x2d: {  	[sflag:s5] =	ssyncset.done $0x0  }
0x2e: {  	[sflag:s5] =	ssyncadd.s32 $0xFFFFFF00  }
0x2f: {  	s29 =	sshll.u32 s26, $0x8;
	_ =	strace $0x9000004C  }
0x30: {  	s30 =	sshll.u32 s0, $0x8;
	s0 =	sadd.s32 $0x780, s29;
	_ =	strace $0x8000004D  }
0x31: {  	s3 =	sadd.s32 $0x580, s30;
	v10 =	vld [tilespmem:s0+$0x0]  }
0x32: {  	v11 =	vld [tilespmem:s3+$0x0];
	_ =	sdelay $0x4  }
0x33: {  	v10 =	vmul.u32 $0x9, v10;
	v11 =	vmul.u32 $0x36, v11;
	_ =	sdelay $0x1  }
0x34: {  	v10 =	vadd.s32 v11, v10;
	_ =	sdelay $0x1  }
0x35: {  	s26 =	simm.s32 $0x0  }
0x36: {  	v11 =	vmov s26  }
0x37: {  	v11 =	vshll.u32 v11, $0x7  }
0x38: {  	s26 =	sand.u32 $0x1, s18;
	v11 =	vor.u32 v0, v11;
	v12 =	vld.idx.msk [tilespmem:v10+s2+$0x0], $0xffff  }
0x39: {  	s5 =	smul.u32 $0x19000, s26;
	v13 =	vadd.s32 $0x1, v10;
	_ =	sdelay $0x1  }
0x3a: {  	s13 =	sshrl.u32 s5, $0x2  }
0x3b: {  	s28 =	sadd.s32 $0x980, s13  }
0x3c: {  	[tilespmem:v11+s28+$0x0] =	vst.idx.msk $0xffff, v12  }
0x3d: {  	v52 =	vor.u32 $0x1, v11;
	v12 =	vld.idx.msk [tilespmem:v13+s2+$0x0], $0xffff  }
0x3e: {  	v14 =	vadd.s32 $0x2, v10;
	_ =	sdelay $0x3  }
0x3f: {  	[tilespmem:v52+s28+$0x0] =	vst.idx.msk $0xffff, v12  }
0x40: {  	v53 =	vor.u32 $0x2, v11;
	v12 =	vld.idx.msk [tilespmem:v14+s2+$0x0], $0xffff  }
0x41: {  	v54 =	vadd.s32 $0x3, v10;
	_ =	sdelay $0x3  }
0x42: {  	[tilespmem:v53+s28+$0x0] =	vst.idx.msk $0xffff, v12  }
0x43: {  	v55 =	vor.u32 $0x3, v11;
	v12 =	vld.idx.msk [tilespmem:v54+s2+$0x0], $0xffff  }
0x44: {  	v56 =	vadd.s32 $0x4, v10;
	_ =	sdelay $0x3  }
0x45: {  	[tilespmem:v55+s28+$0x0] =	vst.idx.msk $0xffff, v12  }
0x46: {  	v57 =	vor.u32 $0x4, v11;
	v12 =	vld.idx.msk [tilespmem:v56+s2+$0x0], $0xffff  }
0x47: {  	v58 =	vadd.s32 $0x5, v10;
	_ =	sdelay $0x3  }
0x48: {  	[tilespmem:v57+s28+$0x0] =	vst.idx.msk $0xffff, v12  }
0x49: {  	v59 =	vor.u32 $0x5, v11;
	v12 =	vld.idx.msk [tilespmem:v58+s2+$0x0], $0xffff  }
0x4a: {  	v60 =	vadd.s32 $0x6, v10;
	_ =	sdelay $0x3  }
0x4b: {  	[tilespmem:v59+s28+$0x0] =	vst.idx.msk $0xffff, v12  }
0x4c: {  	v61 =	vor.u32 $0x6, v11;
	v12 =	vld.idx.msk [tilespmem:v60+s2+$0x0], $0xffff  }
0x4d: {  	v62 =	vadd.s32 $0x7, v10;
	_ =	sdelay $0x3  }
0x4e: {  	[tilespmem:v61+s28+$0x0] =	vst.idx.msk $0xffff, v12  }
0x4f: {  	v63 =	vor.u32 $0x7, v11;
	v12 =	vld.idx.msk [tilespmem:v62+s2+$0x0], $0xffff  }
0x50: {  	v10 =	vadd.s32 $0x8, v10;
	_ =	sdelay $0x1  }
0x51: {  	s31 =	simm.s32 $0x0;
	p1 =	por !p1, p0  }
0x52: {  	s31 =	simm.s32 @p1 $0x1;
	s5 =	sadd.s32 @!p2 $0x1, s22  }
0x53: {  	s14 =	smov.u32 s22;
	s31 =	simm.s32 @p0 $0x0;
	s22 =	smov.u32 @p1 s5;
	[tilespmem:v63+s28+$0x0] =	vst.idx.msk $0xffff, v12  }
0x54: {  	s13 =	sadd.s32 s6, s25;
	s22 =	smov.u32 @p0 s14;
	s14 =	simm.s32 $0x10;
	v11 =	vor.u32 $0x8, v11;
	v10 =	vld.idx.msk [tilespmem:v10+s2+$0x0], $0xffff  }
.LBB2_3:
0x55: {  	_ =	sdelay $0x3  }
0x56: {  	p1 =	sne.s32 s14, $0xB0;
	s3 =	sadd.s32 $0x10, s3;
	s0 =	sadd.s32 $0x10, s0;
	[tilespmem:v11+s28+$0x0] =	vst.idx.msk $0xffff, v10  }
0x57: {  	s5 =	smov.u32 s14;
	s14 =	sadd.s32 $0x10, s14;
	v10 =	vld [tilespmem:s0+$0x0]  }
0x58: {  	v11 =	vld [tilespmem:s3+$0x0];
	_ =	sdelay $0x3  }
0x59: {  	v10 =	vmul.u32 $0x9, v10  }
0x5a: {  	v11 =	vmul.u32 $0x36, v11;
	_ =	sdelay $0x1  }
0x5b: {  	v10 =	vadd.s32 v11, v10;
	_ =	sdelay $0x3  }
0x5c: {  	v11 =	vmov s5  }
0x5d: {  	v11 =	vshll.u32 v11, $0x7;
	v12 =	vld.idx.msk [tilespmem:v10+s2+$0x0], $0xffff  }
0x5e: {  	v11 =	vor.u32 v0, v11  }
0x5f: {  	v13 =	vadd.s32 $0x1, v10;
	_ =	sdelay $0x3  }
0x60: {  	[tilespmem:v11+s28+$0x0] =	vst.idx.msk $0xffff, v12  }
0x61: {  	v12 =	vld.idx.msk [tilespmem:v13+s2+$0x0], $0xffff  }
0x62: {  	v13 =	vor.u32 $0x1, v11  }
0x63: {  	v14 =	vadd.s32 $0x2, v10;
	_ =	sdelay $0x3  }
0x64: {  	[tilespmem:v13+s28+$0x0] =	vst.idx.msk $0xffff, v12  }
0x65: {  	v12 =	vld.idx.msk [tilespmem:v14+s2+$0x0], $0xffff  }
0x66: {  	v13 =	vor.u32 $0x2, v11  }
0x67: {  	v14 =	vadd.s32 $0x3, v10;
	_ =	sdelay $0x3  }
0x68: {  	[tilespmem:v13+s28+$0x0] =	vst.idx.msk $0xffff, v12  }
0x69: {  	v12 =	vld.idx.msk [tilespmem:v14+s2+$0x0], $0xffff  }
0x6a: {  	v13 =	vor.u32 $0x3, v11  }
0x6b: {  	v14 =	vadd.s32 $0x4, v10;
	_ =	sdelay $0x3  }
0x6c: {  	[tilespmem:v13+s28+$0x0] =	vst.idx.msk $0xffff, v12  }
0x6d: {  	v12 =	vld.idx.msk [tilespmem:v14+s2+$0x0], $0xffff  }
0x6e: {  	v13 =	vor.u32 $0x4, v11  }
0x6f: {  	v14 =	vadd.s32 $0x5, v10;
	_ =	sdelay $0x3  }
0x70: {  	[tilespmem:v13+s28+$0x0] =	vst.idx.msk $0xffff, v12  }
0x71: {  	v12 =	vld.idx.msk [tilespmem:v14+s2+$0x0], $0xffff  }
0x72: {  	v13 =	vor.u32 $0x5, v11  }
0x73: {  	v14 =	vadd.s32 $0x6, v10;
	_ =	sdelay $0x3  }
0x74: {  	[tilespmem:v13+s28+$0x0] =	vst.idx.msk $0xffff, v12  }
0x75: {  	v12 =	vld.idx.msk [tilespmem:v14+s2+$0x0], $0xffff  }
0x76: {  	v13 =	vor.u32 $0x6, v11  }
0x77: {  	v14 =	vadd.s32 $0x7, v10;
	_ =	sdelay $0x3  }
0x78: {  	[tilespmem:v13+s28+$0x0] =	vst.idx.msk $0xffff, v12  }
0x79: {  	v12 =	vld.idx.msk [tilespmem:v14+s2+$0x0], $0xffff  }
0x7a: {  	v13 =	vor.u32 $0x7, v11  }
0x7b: {  	v10 =	vadd.s32 $0x8, v10;
	_ =	sdelay $0x1  }
.Ltmp0:
0x7c: {  	(pc) =	sbr.rel @p1 .LBB2_3-.Ltmp0, $4  }
0x7d: {  	_ = 	snop  }
0x7e: {  	[tilespmem:v13+s28+$0x0] =	vst.idx.msk $0xffff, v12  }
0x7f: {  	v10 =	vld.idx.msk [tilespmem:v10+s2+$0x0], $0xffff  }
0x80: {  	v11 =	vor.u32 $0x8, v11  }
0x81: {  	_ =	sdelay $0x3  }
0x82: {  	[tilespmem:v11+s28+$0x0] =	vst.idx.msk $0xffff, v10  }
0x83: {  	v10 =	vld [tilespmem:s30+$0x638]  }
0x84: {  	v11 =	vld [tilespmem:s29+$0x838];
	_ =	sdelay $0x4  }
0x85: {  	v10 =	vmul.u32 $0x36, v10;
	v11 =	vmul.u32 $0x9, v11;
	_ =	sdelay $0x1  }
0x86: {  	v10 =	vadd.s32 v10, v11;
	_ =	sdelay $0x4  }
0x87: {  	v11 =	vld.idx.msk [tilespmem:v10+s2+$0x0], $0xffff  }
0x88: {  	v12 =	vadd.s32 $0x1, v10;
	_ =	sdelay $0x3  }
0x89: {  	[tilespmem:v1+s28+$0x0] =	vst.idx.msk $0xffff, v11  }
0x8a: {  	v11 =	vld.idx.msk [tilespmem:v12+s2+$0x0], $0xffff  }
0x8b: {  	v58 =	vadd.s32 $0x2, v10;
	_ =	sdelay $0x3  }
0x8c: {  	[tilespmem:v2+s28+$0x0] =	vst.idx.msk $0xffff, v11  }
0x8d: {  	v11 =	vld.idx.msk [tilespmem:v58+s2+$0x0], $0xffff  }
0x8e: {  	v59 =	vadd.s32 $0x3, v10;
	_ =	sdelay $0x3  }
0x8f: {  	[tilespmem:v3+s28+$0x0] =	vst.idx.msk $0xffff, v11  }
0x90: {  	v11 =	vld.idx.msk [tilespmem:v59+s2+$0x0], $0xffff  }
0x91: {  	v60 =	vadd.s32 $0x4, v10;
	_ =	sdelay $0x3  }
0x92: {  	[tilespmem:v4+s28+$0x0] =	vst.idx.msk $0xffff, v11  }
0x93: {  	v11 =	vld.idx.msk [tilespmem:v60+s2+$0x0], $0xffff  }
0x94: {  	v61 =	vadd.s32 $0x5, v10;
	_ =	sdelay $0x3  }
0x95: {  	[tilespmem:v5+s28+$0x0] =	vst.idx.msk $0xffff, v11  }
0x96: {  	v11 =	vld.idx.msk [tilespmem:v61+s2+$0x0], $0xffff  }
0x97: {  	v62 =	vadd.s32 $0x6, v10;
	_ =	sdelay $0x3  }
0x98: {  	[tilespmem:v6+s28+$0x0] =	vst.idx.msk $0xffff, v11  }
0x99: {  	v11 =	vld.idx.msk [tilespmem:v62+s2+$0x0], $0xffff  }
0x9a: {  	v63 =	vadd.s32 $0x7, v10;
	_ =	sdelay $0x3  }
0x9b: {  	[tilespmem:v7+s28+$0x0] =	vst.idx.msk $0xffff, v11  }
0x9c: {  	v11 =	vld.idx.msk [tilespmem:v63+s2+$0x0], $0xffff  }
0x9d: {  	v10 =	vadd.s32 $0x8, v10;
	_ =	sdelay $0x3  }
0x9e: {  	[tilespmem:v8+s28+$0x0] =	vst.idx.msk $0xffff, v11  }
0x9f: {  	v10 =	vld.idx.msk [tilespmem:v10+s2+$0x0], $0xffff;
	_ =	sdelay $0x1  }
0xa0: {  	p1 =	sne.s32 s25, s24  }
0xa1: {  	p0 =	por p0, p1  }
0xa2: {  	s0 =	smul.u32 @p0 $0x6400, s13  }
0xa3: {  	p1 =	seq.s32 s23, $0x0;
	[tilespmem:v9+s28+$0x0] =	vst.idx.msk $0xffff, v10  }
0xa4: {  	s3 =	sadd.s32 @p0 $0x5, s26;
	s0 =	sshrl.u32 @p0 s0, $0x3;
	_ =	strace $0x9000004D  }
0xa5: {  	s5 =	simm.s32 @p0 $0x0;
	s0 =	sadd.s32 @p0 s7, s0;
	_ =	strace @p0 $0x8000004E  }
0xa6: {  	[hbm4b:s0+s5] =	stream.linear.scatter @p0 [tilespmem:s28], [sflag:s3], $0x6400, $0x200038;
	[tilespmem:$0xD180] =	vst v63  }
0xa7: {  	s0 =	sand.u32 @!p1 $0x1, s17;
	_ =	strace @p0 $0x9000004E  }
0xa8: {  	s0 =	sadd.s32 @!p1 $0x5, s0;
	_ =	strace @!p1 $0x8000004F  }
0xa9: {  	s3 =	simm.s32 $0x1;
	_ =	swait.ge @!p1 [sflag:s0], $0x6400  }
0xaa: {  	s3 =	simm.s32 @!p0 $0x0;
	p0 =	sne.s32 s23, $0x0;
	[sflag:s0] =	ssyncset.done @!p1 $0x0  }
0xab: {  	s23 =	sadd.s32 $0x1, s23;
	[sflag:s0] =	ssyncadd.s32 @!p1 $0xFFFF9C00;
	s0 =	simm.s32 $0x1  }
0xac: {  	s0 =	simm.s32 @!p0 $0x0;
	p0 =	sne.s32 s23, $0x200  }
.Ltmp1:
0xad: {  	_ = 	snop;
	(pc) =	sbr.rel @p0 .LBB2_2-.Ltmp1, $4  }
0xae: {  	_ = 	snop  }
0xaf: {  	s20 =	sadd.s32 s20, s31  }
0xb0: {  	s25 =	smov.u32 s24;
	s18 =	sadd.s32 s3, s18;
	s21 =	sadd.s32 s3, s21  }
0xb1: {  	s19 =	sadd.s32 s3, s19;
	_ =	strace @!p1 $0x9000004F;
	s17 =	sadd.s32 s0, s17  }
0xb2: {  	s16 =	sadd.s32 $0x1, s16  }
0xb3: {  	s0 =	sand.u32 $0x1, s17;
	p0 =	sne.s32 s16, s10  }
.Ltmp2:
0xb4: {  	_ =	strace $0x80000050;
	s0 =	sadd.s32 $0x5, s0;
	(pc) =	sbr.rel @p0 .LBB2_1-.Ltmp2, $4  }
0xb5: {  	_ =	swait.ge [sflag:s0], $0x6400  }
0xb6: {  	[sflag:s0] =	ssyncset.done $0x0  }
0xb7: {  	[sflag:s0] =	ssyncadd.s32 $0xFFFF9C00  }
0xb8: {  	_ =	strace $0x90000050  }
0xb9: {  	_ =	sfence.sel $0x180000  }
0xba: {  	[bflag:$0x0] =	sbarrier.arrive $0xFFFF  }
0xbb: {  	_ =	strace $0x90000047  }
0xbc: {  	s0 =	stileid.u32;
	[bflag:$0x2] =	sbarrier.arrive $0xFFFF  }
0xbd: {  	p0 =	sne.s32 s0, $0x0;
	s0 =	rddreg [dreg:$0x2]  }
0xbe: {  	s0 =	sadd.s32 @!p0 $0x100000, s0  }
0xbf: {  	[sflag:s0] =	ssyncadd.tile.s32 @!p0 $0x1;
	_ =	shalt  }
.Lfunc_end2:
_tile_overlayer_lowered:
.L_overlay_start_2:
0xc0: {  	(tag) =	ssettag $0x2  }
0xc1: {  	s0 =	rddreg [dreg:$0x0];
	s2 =	stileid.u32  }
0xc2: {  	s1 =	rddreg [dreg:$0x1];
	p0 =	sne.s32 s2, $0x0  }
0xc3: {  	s3 =	rddreg [dreg:$0x2];
	[bflag:$0x3] =	sbarrier.arrive $0xFFFF;
	s2 =	simm.s32 @!p0 $0x1C01  }
0xc4: {  	[timem:s3], [sflag:s2] =	dma.local @!p0 [hbm:s0], s1  }
0xc5: {  	s0 =	simm.s32 @!p0 $0x1  }
0xc6: {  	_ =	swait.ge @!p0 [sflag:s0], s1  }
0xc7: {  	s1 =	ssub.s32 @!p0 $0x0, s1;
	[sflag:s0] =	ssyncset.done @!p0 $0x0  }
0xc8: {  	[sflag:s0] =	ssyncadd.s32 @!p0 s1  }
0xc9: {  	[bflag:$0x3] =	sbarrier.arrive $0xFFFF  }
0xca: {  	_ =	shalt  }

</sc_bundles>
